<compile_context>
chip_gen: v7x
topology: tpu7x:2x2x1
jax: 0.10.2.dev20260603
libtpu: 0.0.44.dev20260713+nightly
codegen_flags: <defaults>
</compile_context>

<pallas_src>
import functools

import jax
import jax.numpy as jnp
from jax import lax
from jax.experimental import pallas as pl
from jax.experimental.pallas import tpu as pltpu
from jax.experimental.pallas import tpu_sc as plsc

_DM = 4096
_RK = 64
_B = 64
_NW = 32
_IDW = _B // _NW
_BANDS = _RK // 8

_NBUF = 3
_LEAD = 2
_CCOL = 2048
_NCH = _BANDS * (_DM // _CCOL)


def _body(w_hbm, idx_hbm, out_hbm, *args):
    idx_v = args[0]
    bufs = args[1:1 + _NBUF]
    gsems = args[1 + _NBUF:1 + 2 * _NBUF]
    wsems = args[1 + 2 * _NBUF:1 + 3 * _NBUF]
    wid = lax.axis_index("s") * 2 + lax.axis_index("c")
    ncol = _DM // _CCOL

    pltpu.sync_copy(idx_hbm.at[wid], idx_v)

    def band_of(c):
        return lax.rem(c // ncol + wid, _BANDS)

    def src(c):
        return w_hbm.at[idx_v,
                        pl.ds(band_of(c) * 8, 8),
                        pl.ds((c % ncol) * _CCOL, _CCOL)]

    def dst(c):
        return out_hbm.at[pl.ds(wid * _IDW, _IDW),
                          pl.ds(band_of(c) * 8, 8),
                          pl.ds((c % ncol) * _CCOL, _CCOL)]

    gathers = [None] * _NBUF
    writes = [None] * _NBUF

    for c in range(_LEAD):
        gathers[c % _NBUF] = pltpu.async_copy(src(c), bufs[c % _NBUF],
                                              gsems[c % _NBUF])
    for c in range(_NCH):
        s = c % _NBUF
        nxt = c + _LEAD
        if nxt < _NCH:
            sn = nxt % _NBUF
            if writes[sn] is not None:
                writes[sn].wait()
            gathers[sn] = pltpu.async_copy(src(nxt), bufs[sn], gsems[sn])
        gathers[s].wait()
        writes[s] = pltpu.async_copy(bufs[s], dst(c), wsems[s])
    for s in range(_NBUF):
        if writes[s] is not None:
            writes[s].wait()


@jax.jit
def _sc_gather(wv, idx2):
    mesh = plsc.VectorSubcoreMesh(core_axis_name="c", subcore_axis_name="s")
    f = functools.partial(
        pl.kernel,
        mesh=mesh,
        out_type=jax.ShapeDtypeStruct((_B, _RK, _DM), jnp.float32),
        scratch_types=(
            [pltpu.VMEM((_IDW,), jnp.int32)]
            + [pltpu.VMEM((_IDW, 8, _CCOL), jnp.float32)] * _NBUF
            + [pltpu.SemaphoreType.DMA] * (2 * _NBUF)
        ),
    )(_body)
    return f(wv, idx2)


def kernel(weight, adapter_ids):
    wv = jnp.swapaxes(weight, 1, 2)
    idx2 = adapter_ids.astype(jnp.int32).reshape(_NW, _IDW)
    out = _sc_gather(wv, idx2)
    return jnp.swapaxes(out, 1, 2)

# --- scband reference (transcript-rebuilt; emitter-appended) ---
"""Pipeline reference for scband-base-multi-lora-83623013253471 (READ-ONLY COPY).

The authoritative reference and input builder live on the scoring server;
editing this copy changes nothing except your own understanding.
"""

import jax, jax.numpy as jnp
import numpy as np

NUM_ADAPTERS = 128
D_MODEL = 4096
RANK = 64
BATCH = 64

def setup_inputs(seed: int = 0) -> dict:
    key = jax.random.key(seed)
    k_w, k_ids = jax.random.split(key)
    weight = jax.random.normal(k_w, (NUM_ADAPTERS, D_MODEL, RANK), dtype=jnp.float32) * 0.02
    adapter_ids = jax.random.randint(k_ids, (BATCH,), 0, NUM_ADAPTERS, dtype=jnp.int64 if jax.config.jax_enable_x64 else jnp.int32)
    return {"weight": weight, "adapter_ids": adapter_ids}

def reference(weight, adapter_ids):
    # Faithful translation of BaseMultiLora.get_weight:
    #   if adapter_ids is None: adapter_ids = 0
    #   return self.weight[adapter_ids].squeeze()
    gathered = jnp.take(weight, adapter_ids, axis=0)  # [B, D_MODEL, RANK]
    return jnp.squeeze(gathered)

if __name__ == "__main__":
    import jax
    _d = setup_inputs()
    print(jax.jit(kernel)(*tuple(_d.values())))

</pallas_src>

<mosaic_0001>
#map = affine_map<(d0, d1) -> (0, 0, 0)>
#map1 = affine_map<(d0, d1) -> (0, 0)>
module attributes {stable_mosaic.version = 14 : i64} {
  func.func @_body(%arg0: i32, %arg1: i32, %arg2: memref<128x64x4096xf32, #tpu.memory_space<hbm>>, %arg3: memref<32x2xi32, #tpu.memory_space<hbm>>, %arg4: memref<64x64x4096xf32, #tpu.memory_space<hbm>>, %arg5: memref<2xi32, #tpu.memory_space<vmem>>, %arg6: memref<2x8x2048xf32, #tpu.memory_space<vmem>>, %arg7: memref<2x8x2048xf32, #tpu.memory_space<vmem>>, %arg8: memref<2x8x2048xf32, #tpu.memory_space<vmem>>, %arg9: memref<!tpu.dma_semaphore, #tpu.memory_space<semaphore_mem>>, %arg10: memref<!tpu.dma_semaphore, #tpu.memory_space<semaphore_mem>>, %arg11: memref<!tpu.dma_semaphore, #tpu.memory_space<semaphore_mem>>, %arg12: memref<!tpu.dma_semaphore, #tpu.memory_space<semaphore_mem>>, %arg13: memref<!tpu.dma_semaphore, #tpu.memory_space<semaphore_mem>>, %arg14: memref<!tpu.dma_semaphore, #tpu.memory_space<semaphore_mem>>) attributes {dimension_semantics = [#tpu.dimension_semantics<core_parallel>, #tpu.dimension_semantics<subcore_parallel>], iteration_bounds = array<i64: 2, 16>, scalar_prefetch = 0 : i64, scratch_operands = 10 : i64, tpu.core_type = #tpu.core_type<sc_vector_subcore>, window_params = [{transform_indices = #map}, {transform_indices = #map1}, {transform_indices = #map}]} {
    %mul3A = arith.constant 2 : i32
    %mul3A_0 = arith.muli %arg1, %mul3A : i32
    %add3A = arith.addi %mul3A_0, %arg0 : i32
    "tpu.region"() ({
      %run_scoped3A = tpu.sem_alloc : memref<!tpu.dma_semaphore, #tpu.memory_space<semaphore_mem>>
      %dma_start3A_446 = arith.constant 0 : i32
      %dma_start3A_447 = tpu.memref_slice %arg3[%add3A, %dma_start3A_446] : memref<32x2xi32, #tpu.memory_space<hbm>> -> memref<1x2xi32, #tpu.memory_space<hbm>>
      %dma_start3A_448 = tpu.memref_squeeze %dma_start3A_447 : memref<1x2xi32, #tpu.memory_space<hbm>> -> memref<2xi32, #tpu.memory_space<hbm>>
      %dma_start3A_449 = arith.constant 0 : i32
      %dma_start3A_450 = tpu.memref_slice %arg3[%add3A, %dma_start3A_449] : memref<32x2xi32, #tpu.memory_space<hbm>> -> memref<1x2xi32, #tpu.memory_space<hbm>>
      %dma_start3A_451 = tpu.memref_squeeze %dma_start3A_450 : memref<1x2xi32, #tpu.memory_space<hbm>> -> memref<2xi32, #tpu.memory_space<hbm>>
      tpu.enqueue_dma source(%dma_start3A_451 : memref<2xi32, #tpu.memory_space<hbm>>) target(%arg5 : memref<2xi32, #tpu.memory_space<vmem>>) target_semaphore(%run_scoped3A : memref<!tpu.dma_semaphore, #tpu.memory_space<semaphore_mem>>)
      %dma_wait3A_452 = arith.constant 0 : i32
      %dma_wait3A_453 = tpu.memref_slice %arg3[%add3A, %dma_wait3A_452] : memref<32x2xi32, #tpu.memory_space<hbm>> -> memref<1x2xi32, #tpu.memory_space<hbm>>
      %dma_wait3A_454 = tpu.memref_squeeze %dma_wait3A_453 : memref<1x2xi32, #tpu.memory_space<hbm>> -> memref<2xi32, #tpu.memory_space<hbm>>
      %dma_wait3A_455 = arith.constant 0 : i32
      %dma_wait3A_456 = tpu.memref_slice %arg3[%add3A, %dma_wait3A_455] : memref<32x2xi32, #tpu.memory_space<hbm>> -> memref<1x2xi32, #tpu.memory_space<hbm>>
      %dma_wait3A_457 = tpu.memref_squeeze %dma_wait3A_456 : memref<1x2xi32, #tpu.memory_space<hbm>> -> memref<2xi32, #tpu.memory_space<hbm>>
      tpu.wait_dma2 semaphore(%run_scoped3A : memref<!tpu.dma_semaphore, #tpu.memory_space<semaphore_mem>>) src(%dma_wait3A_457 : memref<2xi32, #tpu.memory_space<hbm>>) dst(%arg5 : memref<2xi32, #tpu.memory_space<vmem>>)
      tpu.yield
    }) : () -> ()
    %add3A_1 = arith.constant 0 : i32
    %add3A_2 = arith.addi %add3A_1, %add3A : i32
    %rem3A = arith.constant 8 : i32
    %rem3A_3 = arith.remsi %add3A_2, %rem3A : i32
    %mul3A_4 = arith.constant 8 : i32
    %mul3A_5 = arith.muli %rem3A_3, %mul3A_4 : i32
    %dma_start3A = arith.constant 0 : i32
    %dma_start3A_6 = arith.constant 0 : i32
    %dma_start3A_7 = tpu.memref_slice %arg2[%dma_start3A, %mul3A_5, %dma_start3A_6] : memref<128x64x4096xf32, #tpu.memory_space<hbm>> -> memref<128x8x2048xf32, #tpu.memory_space<hbm>>
    tpu.enqueue_indirect_dma source(%dma_start3A_7 : memref<128x8x2048xf32, #tpu.memory_space<hbm>>) target(%arg6 : memref<2x8x2048xf32, #tpu.memory_space<vmem>>) offsets(%arg5 : memref<2xi32, #tpu.memory_space<vmem>>) semaphore(%arg9 : memref<!tpu.dma_semaphore, #tpu.memory_space<semaphore_mem>>)
    %add3A_8 = arith.constant 0 : i32
    %add3A_9 = arith.addi %add3A_8, %add3A : i32
    %rem3A_10 = arith.constant 8 : i32
    %rem3A_11 = arith.remsi %add3A_9, %rem3A_10 : i32
    %mul3A_12 = arith.constant 8 : i32
    %mul3A_13 = arith.muli %rem3A_11, %mul3A_12 : i32
    %dma_start3A_14 = arith.constant 0 : i32
    %dma_start3A_15 = arith.constant 2048 : i32
    %dma_start3A_16 = tpu.memref_slice %arg2[%dma_start3A_14, %mul3A_13, %dma_start3A_15] : memref<128x64x4096xf32, #tpu.memory_space<hbm>> -> memref<128x8x2048xf32, #tpu.memory_space<hbm>>
    tpu.enqueue_indirect_dma source(%dma_start3A_16 : memref<128x8x2048xf32, #tpu.memory_space<hbm>>) target(%arg7 : memref<2x8x2048xf32, #tpu.memory_space<vmem>>) offsets(%arg5 : memref<2xi32, #tpu.memory_space<vmem>>) semaphore(%arg10 : memref<!tpu.dma_semaphore, #tpu.memory_space<semaphore_mem>>)
    %add3A_17 = arith.constant 1 : i32
    %add3A_18 = arith.addi %add3A_17, %add3A : i32
    %rem3A_19 = arith.constant 8 : i32
    %rem3A_20 = arith.remsi %add3A_18, %rem3A_19 : i32
    %mul3A_21 = arith.constant 8 : i32
    %mul3A_22 = arith.muli %rem3A_20, %mul3A_21 : i32
    %dma_start3A_23 = arith.constant 0 : i32
    %dma_start3A_24 = arith.constant 0 : i32
    %dma_start3A_25 = tpu.memref_slice %arg2[%dma_start3A_23, %mul3A_22, %dma_start3A_24] : memref<128x64x4096xf32, #tpu.memory_space<hbm>> -> memref<128x8x2048xf32, #tpu.memory_space<hbm>>
    tpu.enqueue_indirect_dma source(%dma_start3A_25 : memref<128x8x2048xf32, #tpu.memory_space<hbm>>) target(%arg8 : memref<2x8x2048xf32, #tpu.memory_space<vmem>>) offsets(%arg5 : memref<2xi32, #tpu.memory_space<vmem>>) semaphore(%arg11 : memref<!tpu.dma_semaphore, #tpu.memory_space<semaphore_mem>>)
    %dma_wait3A = arith.constant 0 : i32
    %dma_wait3A_26 = arith.constant 0 : i32
    %dma_wait3A_27 = tpu.memref_slice %arg2[%dma_wait3A, %mul3A_5, %dma_wait3A_26] : memref<128x64x4096xf32, #tpu.memory_space<hbm>> -> memref<128x8x2048xf32, #tpu.memory_space<hbm>>
    tpu.wait_indirect_dma semaphore(%arg9 : memref<!tpu.dma_semaphore, #tpu.memory_space<semaphore_mem>>) src(%dma_wait3A_27 : memref<128x8x2048xf32, #tpu.memory_space<hbm>>) dst(%arg6 : memref<2x8x2048xf32, #tpu.memory_space<vmem>>)
    %mul3A_28 = arith.constant 2 : i32
    %mul3A_29 = arith.muli %add3A, %mul3A_28 : i32
    %add3A_30 = arith.constant 0 : i32
    %add3A_31 = arith.addi %add3A_30, %add3A : i32
    %rem3A_32 = arith.constant 8 : i32
    %rem3A_33 = arith.remsi %add3A_31, %rem3A_32 : i32
    %mul3A_34 = arith.constant 8 : i32
    %mul3A_35 = arith.muli %rem3A_33, %mul3A_34 : i32
    %dma_start3A_36 = arith.constant 0 : i32
    %dma_start3A_37 = tpu.memref_slice %arg4[%mul3A_29, %mul3A_35, %dma_start3A_36] : memref<64x64x4096xf32, #tpu.memory_space<hbm>> -> memref<2x8x2048xf32, #tpu.memory_space<hbm>>
    %dma_start3A_38 = arith.constant 0 : i32
    %dma_start3A_39 = tpu.memref_slice %arg4[%mul3A_29, %mul3A_35, %dma_start3A_38] : memref<64x64x4096xf32, #tpu.memory_space<hbm>> -> memref<2x8x2048xf32, #tpu.memory_space<hbm>>
    tpu.enqueue_dma source(%arg6 : memref<2x8x2048xf32, #tpu.memory_space<vmem>>) target(%dma_start3A_39 : memref<2x8x2048xf32, #tpu.memory_space<hbm>>) target_semaphore(%arg12 : memref<!tpu.dma_semaphore, #tpu.memory_space<semaphore_mem>>)
    %dma_wait3A_40 = arith.constant 0 : i32
    %dma_wait3A_41 = tpu.memref_slice %arg4[%mul3A_29, %mul3A_35, %dma_wait3A_40] : memref<64x64x4096xf32, #tpu.memory_space<hbm>> -> memref<2x8x2048xf32, #tpu.memory_space<hbm>>
    %dma_wait3A_42 = arith.constant 0 : i32
    %dma_wait3A_43 = tpu.memref_slice %arg4[%mul3A_29, %mul3A_35, %dma_wait3A_42] : memref<64x64x4096xf32, #tpu.memory_space<hbm>> -> memref<2x8x2048xf32, #tpu.memory_space<hbm>>
    tpu.wait_dma2 semaphore(%arg12 : memref<!tpu.dma_semaphore, #tpu.memory_space<semaphore_mem>>) src(%arg6 : memref<2x8x2048xf32, #tpu.memory_space<vmem>>) dst(%dma_wait3A_43 : memref<2x8x2048xf32, #tpu.memory_space<hbm>>)
    %add3A_44 = arith.constant 1 : i32
    %add3A_45 = arith.addi %add3A_44, %add3A : i32
    %rem3A_46 = arith.constant 8 : i32
    %rem3A_47 = arith.remsi %add3A_45, %rem3A_46 : i32
    %mul3A_48 = arith.constant 8 : i32
    %mul3A_49 = arith.muli %rem3A_47, %mul3A_48 : i32
    %dma_start3A_50 = arith.constant 0 : i32
    %dma_start3A_51 = arith.constant 2048 : i32
    %dma_start3A_52 = tpu.memref_slice %arg2[%dma_start3A_50, %mul3A_49, %dma_start3A_51] : memref<128x64x4096xf32, #tpu.memory_space<hbm>> -> memref<128x8x2048xf32, #tpu.memory_space<hbm>>
    tpu.enqueue_indirect_dma source(%dma_start3A_52 : memref<128x8x2048xf32, #tpu.memory_space<hbm>>) target(%arg6 : memref<2x8x2048xf32, #tpu.memory_space<vmem>>) offsets(%arg5 : memref<2xi32, #tpu.memory_space<vmem>>) semaphore(%arg9 : memref<!tpu.dma_semaphore, #tpu.memory_space<semaphore_mem>>)
    %dma_wait3A_53 = arith.constant 0 : i32
    %dma_wait3A_54 = arith.constant 2048 : i32
    %dma_wait3A_55 = tpu.memref_slice %arg2[%dma_wait3A_53, %mul3A_13, %dma_wait3A_54] : memref<128x64x4096xf32, #tpu.memory_space<hbm>> -> memref<128x8x2048xf32, #tpu.memory_space<hbm>>
    tpu.wait_indirect_dma semaphore(%arg10 : memref<!tpu.dma_semaphore, #tpu.memory_space<semaphore_mem>>) src(%dma_wait3A_55 : memref<128x8x2048xf32, #tpu.memory_space<hbm>>) dst(%arg7 : memref<2x8x2048xf32, #tpu.memory_space<vmem>>)
    %mul3A_56 = arith.constant 2 : i32
    %mul3A_57 = arith.muli %add3A, %mul3A_56 : i32
    %add3A_58 = arith.constant 0 : i32
    %add3A_59 = arith.addi %add3A_58, %add3A : i32
    %rem3A_60 = arith.constant 8 : i32
    %rem3A_61 = arith.remsi %add3A_59, %rem3A_60 : i32
    %mul3A_62 = arith.constant 8 : i32
    %mul3A_63 = arith.muli %rem3A_61, %mul3A_62 : i32
    %dma_start3A_64 = arith.constant 2048 : i32
    %dma_start3A_65 = tpu.memref_slice %arg4[%mul3A_57, %mul3A_63, %dma_start3A_64] : memref<64x64x4096xf32, #tpu.memory_space<hbm>> -> memref<2x8x2048xf32, #tpu.memory_space<hbm>>
    %dma_start3A_66 = arith.constant 2048 : i32
    %dma_start3A_67 = tpu.memref_slice %arg4[%mul3A_57, %mul3A_63, %dma_start3A_66] : memref<64x64x4096xf32, #tpu.memory_space<hbm>> -> memref<2x8x2048xf32, #tpu.memory_space<hbm>>
    tpu.enqueue_dma source(%arg7 : memref<2x8x2048xf32, #tpu.memory_space<vmem>>) target(%dma_start3A_67 : memref<2x8x2048xf32, #tpu.memory_space<hbm>>) target_semaphore(%arg13 : memref<!tpu.dma_semaphore, #tpu.memory_space<semaphore_mem>>)
    %dma_wait3A_68 = arith.constant 2048 : i32
    %dma_wait3A_69 = tpu.memref_slice %arg4[%mul3A_57, %mul3A_63, %dma_wait3A_68] : memref<64x64x4096xf32, #tpu.memory_space<hbm>> -> memref<2x8x2048xf32, #tpu.memory_space<hbm>>
    %dma_wait3A_70 = arith.constant 2048 : i32
    %dma_wait3A_71 = tpu.memref_slice %arg4[%mul3A_57, %mul3A_63, %dma_wait3A_70] : memref<64x64x4096xf32, #tpu.memory_space<hbm>> -> memref<2x8x2048xf32, #tpu.memory_space<hbm>>
    tpu.wait_dma2 semaphore(%arg13 : memref<!tpu.dma_semaphore, #tpu.memory_space<semaphore_mem>>) src(%arg7 : memref<2x8x2048xf32, #tpu.memory_space<vmem>>) dst(%dma_wait3A_71 : memref<2x8x2048xf32, #tpu.memory_space<hbm>>)
    %add3A_72 = arith.constant 2 : i32
    %add3A_73 = arith.addi %add3A_72, %add3A : i32
    %rem3A_74 = arith.constant 8 : i32
    %rem3A_75 = arith.remsi %add3A_73, %rem3A_74 : i32
    %mul3A_76 = arith.constant 8 : i32
    %mul3A_77 = arith.muli %rem3A_75, %mul3A_76 : i32
    %dma_start3A_78 = arith.constant 0 : i32
    %dma_start3A_79 = arith.constant 0 : i32
    %dma_start3A_80 = tpu.memref_slice %arg2[%dma_start3A_78, %mul3A_77, %dma_start3A_79] : memref<128x64x4096xf32, #tpu.memory_space<hbm>> -> memref<128x8x2048xf32, #tpu.memory_space<hbm>>
    tpu.enqueue_indirect_dma source(%dma_start3A_80 : memref<128x8x2048xf32, #tpu.memory_space<hbm>>) target(%arg7 : memref<2x8x2048xf32, #tpu.memory_space<vmem>>) offsets(%arg5 : memref<2xi32, #tpu.memory_space<vmem>>) semaphore(%arg10 : memref<!tpu.dma_semaphore, #tpu.memory_space<semaphore_mem>>)
    %dma_wait3A_81 = arith.constant 0 : i32
    %dma_wait3A_82 = arith.constant 0 : i32
    %dma_wait3A_83 = tpu.memref_slice %arg2[%dma_wait3A_81, %mul3A_22, %dma_wait3A_82] : memref<128x64x4096xf32, #tpu.memory_space<hbm>> -> memref<128x8x2048xf32, #tpu.memory_space<hbm>>
    tpu.wait_indirect_dma semaphore(%arg11 : memref<!tpu.dma_semaphore, #tpu.memory_space<semaphore_mem>>) src(%dma_wait3A_83 : memref<128x8x2048xf32, #tpu.memory_space<hbm>>) dst(%arg8 : memref<2x8x2048xf32, #tpu.memory_space<vmem>>)
    %mul3A_84 = arith.constant 2 : i32
    %mul3A_85 = arith.muli %add3A, %mul3A_84 : i32
    %add3A_86 = arith.constant 1 : i32
    %add3A_87 = arith.addi %add3A_86, %add3A : i32
    %rem3A_88 = arith.constant 8 : i32
    %rem3A_89 = arith.remsi %add3A_87, %rem3A_88 : i32
    %mul3A_90 = arith.constant 8 : i32
    %mul3A_91 = arith.muli %rem3A_89, %mul3A_90 : i32
    %dma_start3A_92 = arith.constant 0 : i32
    %dma_start3A_93 = tpu.memref_slice %arg4[%mul3A_85, %mul3A_91, %dma_start3A_92] : memref<64x64x4096xf32, #tpu.memory_space<hbm>> -> memref<2x8x2048xf32, #tpu.memory_space<hbm>>
    %dma_start3A_94 = arith.constant 0 : i32
    %dma_start3A_95 = tpu.memref_slice %arg4[%mul3A_85, %mul3A_91, %dma_start3A_94] : memref<64x64x4096xf32, #tpu.memory_space<hbm>> -> memref<2x8x2048xf32, #tpu.memory_space<hbm>>
    tpu.enqueue_dma source(%arg8 : memref<2x8x2048xf32, #tpu.memory_space<vmem>>) target(%dma_start3A_95 : memref<2x8x2048xf32, #tpu.memory_space<hbm>>) target_semaphore(%arg14 : memref<!tpu.dma_semaphore, #tpu.memory_space<semaphore_mem>>)
    %dma_wait3A_96 = arith.constant 0 : i32
    %dma_wait3A_97 = tpu.memref_slice %arg4[%mul3A_85, %mul3A_91, %dma_wait3A_96] : memref<64x64x4096xf32, #tpu.memory_space<hbm>> -> memref<2x8x2048xf32, #tpu.memory_space<hbm>>
    %dma_wait3A_98 = arith.constant 0 : i32
    %dma_wait3A_99 = tpu.memref_slice %arg4[%mul3A_85, %mul3A_91, %dma_wait3A_98] : memref<64x64x4096xf32, #tpu.memory_space<hbm>> -> memref<2x8x2048xf32, #tpu.memory_space<hbm>>
    tpu.wait_dma2 semaphore(%arg14 : memref<!tpu.dma_semaphore, #tpu.memory_space<semaphore_mem>>) src(%arg8 : memref<2x8x2048xf32, #tpu.memory_space<vmem>>) dst(%dma_wait3A_99 : memref<2x8x2048xf32, #tpu.memory_space<hbm>>)
    %add3A_100 = arith.constant 2 : i32
    %add3A_101 = arith.addi %add3A_100, %add3A : i32
    %rem3A_102 = arith.constant 8 : i32
    %rem3A_103 = arith.remsi %add3A_101, %rem3A_102 : i32
    %mul3A_104 = arith.constant 8 : i32
    %mul3A_105 = arith.muli %rem3A_103, %mul3A_104 : i32
    %dma_start3A_106 = arith.constant 0 : i32
    %dma_start3A_107 = arith.constant 2048 : i32
    %dma_start3A_108 = tpu.memref_slice %arg2[%dma_start3A_106, %mul3A_105, %dma_start3A_107] : memref<128x64x4096xf32, #tpu.memory_space<hbm>> -> memref<128x8x2048xf32, #tpu.memory_space<hbm>>
    tpu.enqueue_indirect_dma source(%dma_start3A_108 : memref<128x8x2048xf32, #tpu.memory_space<hbm>>) target(%arg8 : memref<2x8x2048xf32, #tpu.memory_space<vmem>>) offsets(%arg5 : memref<2xi32, #tpu.memory_space<vmem>>) semaphore(%arg11 : memref<!tpu.dma_semaphore, #tpu.memory_space<semaphore_mem>>)
    %dma_wait3A_109 = arith.constant 0 : i32
    %dma_wait3A_110 = arith.constant 2048 : i32
    %dma_wait3A_111 = tpu.memref_slice %arg2[%dma_wait3A_109, %mul3A_49, %dma_wait3A_110] : memref<128x64x4096xf32, #tpu.memory_space<hbm>> -> memref<128x8x2048xf32, #tpu.memory_space<hbm>>
    tpu.wait_indirect_dma semaphore(%arg9 : memref<!tpu.dma_semaphore, #tpu.memory_space<semaphore_mem>>) src(%dma_wait3A_111 : memref<128x8x2048xf32, #tpu.memory_space<hbm>>) dst(%arg6 : memref<2x8x2048xf32, #tpu.memory_space<vmem>>)
    %mul3A_112 = arith.constant 2 : i32
    %mul3A_113 = arith.muli %add3A, %mul3A_112 : i32
    %add3A_114 = arith.constant 1 : i32
    %add3A_115 = arith.addi %add3A_114, %add3A : i32
    %rem3A_116 = arith.constant 8 : i32
    %rem3A_117 = arith.remsi %add3A_115, %rem3A_116 : i32
    %mul3A_118 = arith.constant 8 : i32
    %mul3A_119 = arith.muli %rem3A_117, %mul3A_118 : i32
    %dma_start3A_120 = arith.constant 2048 : i32
    %dma_start3A_121 = tpu.memref_slice %arg4[%mul3A_113, %mul3A_119, %dma_start3A_120] : memref<64x64x4096xf32, #tpu.memory_space<hbm>> -> memref<2x8x2048xf32, #tpu.memory_space<hbm>>
    %dma_start3A_122 = arith.constant 2048 : i32
    %dma_start3A_123 = tpu.memref_slice %arg4[%mul3A_113, %mul3A_119, %dma_start3A_122] : memref<64x64x4096xf32, #tpu.memory_space<hbm>> -> memref<2x8x2048xf32, #tpu.memory_space<hbm>>
    tpu.enqueue_dma source(%arg6 : memref<2x8x2048xf32, #tpu.memory_space<vmem>>) target(%dma_start3A_123 : memref<2x8x2048xf32, #tpu.memory_space<hbm>>) target_semaphore(%arg12 : memref<!tpu.dma_semaphore, #tpu.memory_space<semaphore_mem>>)
    %dma_wait3A_124 = arith.constant 2048 : i32
    %dma_wait3A_125 = tpu.memref_slice %arg4[%mul3A_113, %mul3A_119, %dma_wait3A_124] : memref<64x64x4096xf32, #tpu.memory_space<hbm>> -> memref<2x8x2048xf32, #tpu.memory_space<hbm>>
    %dma_wait3A_126 = arith.constant 2048 : i32
    %dma_wait3A_127 = tpu.memref_slice %arg4[%mul3A_113, %mul3A_119, %dma_wait3A_126] : memref<64x64x4096xf32, #tpu.memory_space<hbm>> -> memref<2x8x2048xf32, #tpu.memory_space<hbm>>
    tpu.wait_dma2 semaphore(%arg12 : memref<!tpu.dma_semaphore, #tpu.memory_space<semaphore_mem>>) src(%arg6 : memref<2x8x2048xf32, #tpu.memory_space<vmem>>) dst(%dma_wait3A_127 : memref<2x8x2048xf32, #tpu.memory_space<hbm>>)
    %add3A_128 = arith.constant 3 : i32
    %add3A_129 = arith.addi %add3A_128, %add3A : i32
    %rem3A_130 = arith.constant 8 : i32
    %rem3A_131 = arith.remsi %add3A_129, %rem3A_130 : i32
    %mul3A_132 = arith.constant 8 : i32
    %mul3A_133 = arith.muli %rem3A_131, %mul3A_132 : i32
    %dma_start3A_134 = arith.constant 0 : i32
    %dma_start3A_135 = arith.constant 0 : i32
    %dma_start3A_136 = tpu.memref_slice %arg2[%dma_start3A_134, %mul3A_133, %dma_start3A_135] : memref<128x64x4096xf32, #tpu.memory_space<hbm>> -> memref<128x8x2048xf32, #tpu.memory_space<hbm>>
    tpu.enqueue_indirect_dma source(%dma_start3A_136 : memref<128x8x2048xf32, #tpu.memory_space<hbm>>) target(%arg6 : memref<2x8x2048xf32, #tpu.memory_space<vmem>>) offsets(%arg5 : memref<2xi32, #tpu.memory_space<vmem>>) semaphore(%arg9 : memref<!tpu.dma_semaphore, #tpu.memory_space<semaphore_mem>>)
    %dma_wait3A_137 = arith.constant 0 : i32
    %dma_wait3A_138 = arith.constant 0 : i32
    %dma_wait3A_139 = tpu.memref_slice %arg2[%dma_wait3A_137, %mul3A_77, %dma_wait3A_138] : memref<128x64x4096xf32, #tpu.memory_space<hbm>> -> memref<128x8x2048xf32, #tpu.memory_space<hbm>>
    tpu.wait_indirect_dma semaphore(%arg10 : memref<!tpu.dma_semaphore, #tpu.memory_space<semaphore_mem>>) src(%dma_wait3A_139 : memref<128x8x2048xf32, #tpu.memory_space<hbm>>) dst(%arg7 : memref<2x8x2048xf32, #tpu.memory_space<vmem>>)
    %mul3A_140 = arith.constant 2 : i32
    %mul3A_141 = arith.muli %add3A, %mul3A_140 : i32
    %add3A_142 = arith.constant 2 : i32
    %add3A_143 = arith.addi %add3A_142, %add3A : i32
    %rem3A_144 = arith.constant 8 : i32
    %rem3A_145 = arith.remsi %add3A_143, %rem3A_144 : i32
    %mul3A_146 = arith.constant 8 : i32
    %mul3A_147 = arith.muli %rem3A_145, %mul3A_146 : i32
    %dma_start3A_148 = arith.constant 0 : i32
    %dma_start3A_149 = tpu.memref_slice %arg4[%mul3A_141, %mul3A_147, %dma_start3A_148] : memref<64x64x4096xf32, #tpu.memory_space<hbm>> -> memref<2x8x2048xf32, #tpu.memory_space<hbm>>
    %dma_start3A_150 = arith.constant 0 : i32
    %dma_start3A_151 = tpu.memref_slice %arg4[%mul3A_141, %mul3A_147, %dma_start3A_150] : memref<64x64x4096xf32, #tpu.memory_space<hbm>> -> memref<2x8x2048xf32, #tpu.memory_space<hbm>>
    tpu.enqueue_dma source(%arg7 : memref<2x8x2048xf32, #tpu.memory_space<vmem>>) target(%dma_start3A_151 : memref<2x8x2048xf32, #tpu.memory_space<hbm>>) target_semaphore(%arg13 : memref<!tpu.dma_semaphore, #tpu.memory_space<semaphore_mem>>)
    %dma_wait3A_152 = arith.constant 0 : i32
    %dma_wait3A_153 = tpu.memref_slice %arg4[%mul3A_141, %mul3A_147, %dma_wait3A_152] : memref<64x64x4096xf32, #tpu.memory_space<hbm>> -> memref<2x8x2048xf32, #tpu.memory_space<hbm>>
    %dma_wait3A_154 = arith.constant 0 : i32
    %dma_wait3A_155 = tpu.memref_slice %arg4[%mul3A_141, %mul3A_147, %dma_wait3A_154] : memref<64x64x4096xf32, #tpu.memory_space<hbm>> -> memref<2x8x2048xf32, #tpu.memory_space<hbm>>
    tpu.wait_dma2 semaphore(%arg13 : memref<!tpu.dma_semaphore, #tpu.memory_space<semaphore_mem>>) src(%arg7 : memref<2x8x2048xf32, #tpu.memory_space<vmem>>) dst(%dma_wait3A_155 : memref<2x8x2048xf32, #tpu.memory_space<hbm>>)
    %add3A_156 = arith.constant 3 : i32
    %add3A_157 = arith.addi %add3A_156, %add3A : i32
    %rem3A_158 = arith.constant 8 : i32
    %rem3A_159 = arith.remsi %add3A_157, %rem3A_158 : i32
    %mul3A_160 = arith.constant 8 : i32
    %mul3A_161 = arith.muli %rem3A_159, %mul3A_160 : i32
    %dma_start3A_162 = arith.constant 0 : i32
    %dma_start3A_163 = arith.constant 2048 : i32
    %dma_start3A_164 = tpu.memref_slice %arg2[%dma_start3A_162, %mul3A_161, %dma_start3A_163] : memref<128x64x4096xf32, #tpu.memory_space<hbm>> -> memref<128x8x2048xf32, #tpu.memory_space<hbm>>
    tpu.enqueue_indirect_dma source(%dma_start3A_164 : memref<128x8x2048xf32, #tpu.memory_space<hbm>>) target(%arg7 : memref<2x8x2048xf32, #tpu.memory_space<vmem>>) offsets(%arg5 : memref<2xi32, #tpu.memory_space<vmem>>) semaphore(%arg10 : memref<!tpu.dma_semaphore, #tpu.memory_space<semaphore_mem>>)
    %dma_wait3A_165 = arith.constant 0 : i32
    %dma_wait3A_166 = arith.constant 2048 : i32
    %dma_wait3A_167 = tpu.memref_slice %arg2[%dma_wait3A_165, %mul3A_105, %dma_wait3A_166] : memref<128x64x4096xf32, #tpu.memory_space<hbm>> -> memref<128x8x2048xf32, #tpu.memory_space<hbm>>
    tpu.wait_indirect_dma semaphore(%arg11 : memref<!tpu.dma_semaphore, #tpu.memory_space<semaphore_mem>>) src(%dma_wait3A_167 : memref<128x8x2048xf32, #tpu.memory_space<hbm>>) dst(%arg8 : memref<2x8x2048xf32, #tpu.memory_space<vmem>>)
    %mul3A_168 = arith.constant 2 : i32
    %mul3A_169 = arith.muli %add3A, %mul3A_168 : i32
    %add3A_170 = arith.constant 2 : i32
    %add3A_171 = arith.addi %add3A_170, %add3A : i32
    %rem3A_172 = arith.constant 8 : i32
    %rem3A_173 = arith.remsi %add3A_171, %rem3A_172 : i32
    %mul3A_174 = arith.constant 8 : i32
    %mul3A_175 = arith.muli %rem3A_173, %mul3A_174 : i32
    %dma_start3A_176 = arith.constant 2048 : i32
    %dma_start3A_177 = tpu.memref_slice %arg4[%mul3A_169, %mul3A_175, %dma_start3A_176] : memref<64x64x4096xf32, #tpu.memory_space<hbm>> -> memref<2x8x2048xf32, #tpu.memory_space<hbm>>
    %dma_start3A_178 = arith.constant 2048 : i32
    %dma_start3A_179 = tpu.memref_slice %arg4[%mul3A_169, %mul3A_175, %dma_start3A_178] : memref<64x64x4096xf32, #tpu.memory_space<hbm>> -> memref<2x8x2048xf32, #tpu.memory_space<hbm>>
    tpu.enqueue_dma source(%arg8 : memref<2x8x2048xf32, #tpu.memory_space<vmem>>) target(%dma_start3A_179 : memref<2x8x2048xf32, #tpu.memory_space<hbm>>) target_semaphore(%arg14 : memref<!tpu.dma_semaphore, #tpu.memory_space<semaphore_mem>>)
    %dma_wait3A_180 = arith.constant 2048 : i32
    %dma_wait3A_181 = tpu.memref_slice %arg4[%mul3A_169, %mul3A_175, %dma_wait3A_180] : memref<64x64x4096xf32, #tpu.memory_space<hbm>> -> memref<2x8x2048xf32, #tpu.memory_space<hbm>>
    %dma_wait3A_182 = arith.constant 2048 : i32
    %dma_wait3A_183 = tpu.memref_slice %arg4[%mul3A_169, %mul3A_175, %dma_wait3A_182] : memref<64x64x4096xf32, #tpu.memory_space<hbm>> -> memref<2x8x2048xf32, #tpu.memory_space<hbm>>
    tpu.wait_dma2 semaphore(%arg14 : memref<!tpu.dma_semaphore, #tpu.memory_space<semaphore_mem>>) src(%arg8 : memref<2x8x2048xf32, #tpu.memory_space<vmem>>) dst(%dma_wait3A_183 : memref<2x8x2048xf32, #tpu.memory_space<hbm>>)
    %add3A_184 = arith.constant 4 : i32
    %add3A_185 = arith.addi %add3A_184, %add3A : i32
    %rem3A_186 = arith.constant 8 : i32
    %rem3A_187 = arith.remsi %add3A_185, %rem3A_186 : i32
    %mul3A_188 = arith.constant 8 : i32
    %mul3A_189 = arith.muli %rem3A_187, %mul3A_188 : i32
    %dma_start3A_190 = arith.constant 0 : i32
    %dma_start3A_191 = arith.constant 0 : i32
    %dma_start3A_192 = tpu.memref_slice %arg2[%dma_start3A_190, %mul3A_189, %dma_start3A_191] : memref<128x64x4096xf32, #tpu.memory_space<hbm>> -> memref<128x8x2048xf32, #tpu.memory_space<hbm>>
    tpu.enqueue_indirect_dma source(%dma_start3A_192 : memref<128x8x2048xf32, #tpu.memory_space<hbm>>) target(%arg8 : memref<2x8x2048xf32, #tpu.memory_space<vmem>>) offsets(%arg5 : memref<2xi32, #tpu.memory_space<vmem>>) semaphore(%arg11 : memref<!tpu.dma_semaphore, #tpu.memory_space<semaphore_mem>>)
    %dma_wait3A_193 = arith.constant 0 : i32
    %dma_wait3A_194 = arith.constant 0 : i32
    %dma_wait3A_195 = tpu.memref_slice %arg2[%dma_wait3A_193, %mul3A_133, %dma_wait3A_194] : memref<128x64x4096xf32, #tpu.memory_space<hbm>> -> memref<128x8x2048xf32, #tpu.memory_space<hbm>>
    tpu.wait_indirect_dma semaphore(%arg9 : memref<!tpu.dma_semaphore, #tpu.memory_space<semaphore_mem>>) src(%dma_wait3A_195 : memref<128x8x2048xf32, #tpu.memory_space<hbm>>) dst(%arg6 : memref<2x8x2048xf32, #tpu.memory_space<vmem>>)
    %mul3A_196 = arith.constant 2 : i32
    %mul3A_197 = arith.muli %add3A, %mul3A_196 : i32
    %add3A_198 = arith.constant 3 : i32
    %add3A_199 = arith.addi %add3A_198, %add3A : i32
    %rem3A_200 = arith.constant 8 : i32
    %rem3A_201 = arith.remsi %add3A_199, %rem3A_200 : i32
    %mul3A_202 = arith.constant 8 : i32
    %mul3A_203 = arith.muli %rem3A_201, %mul3A_202 : i32
    %dma_start3A_204 = arith.constant 0 : i32
    %dma_start3A_205 = tpu.memref_slice %arg4[%mul3A_197, %mul3A_203, %dma_start3A_204] : memref<64x64x4096xf32, #tpu.memory_space<hbm>> -> memref<2x8x2048xf32, #tpu.memory_space<hbm>>
    %dma_start3A_206 = arith.constant 0 : i32
    %dma_start3A_207 = tpu.memref_slice %arg4[%mul3A_197, %mul3A_203, %dma_start3A_206] : memref<64x64x4096xf32, #tpu.memory_space<hbm>> -> memref<2x8x2048xf32, #tpu.memory_space<hbm>>
    tpu.enqueue_dma source(%arg6 : memref<2x8x2048xf32, #tpu.memory_space<vmem>>) target(%dma_start3A_207 : memref<2x8x2048xf32, #tpu.memory_space<hbm>>) target_semaphore(%arg12 : memref<!tpu.dma_semaphore, #tpu.memory_space<semaphore_mem>>)
    %dma_wait3A_208 = arith.constant 0 : i32
    %dma_wait3A_209 = tpu.memref_slice %arg4[%mul3A_197, %mul3A_203, %dma_wait3A_208] : memref<64x64x4096xf32, #tpu.memory_space<hbm>> -> memref<2x8x2048xf32, #tpu.memory_space<hbm>>
    %dma_wait3A_210 = arith.constant 0 : i32
    %dma_wait3A_211 = tpu.memref_slice %arg4[%mul3A_197, %mul3A_203, %dma_wait3A_210] : memref<64x64x4096xf32, #tpu.memory_space<hbm>> -> memref<2x8x2048xf32, #tpu.memory_space<hbm>>
    tpu.wait_dma2 semaphore(%arg12 : memref<!tpu.dma_semaphore, #tpu.memory_space<semaphore_mem>>) src(%arg6 : memref<2x8x2048xf32, #tpu.memory_space<vmem>>) dst(%dma_wait3A_211 : memref<2x8x2048xf32, #tpu.memory_space<hbm>>)
    %add3A_212 = arith.constant 4 : i32
    %add3A_213 = arith.addi %add3A_212, %add3A : i32
    %rem3A_214 = arith.constant 8 : i32
    %rem3A_215 = arith.remsi %add3A_213, %rem3A_214 : i32
    %mul3A_216 = arith.constant 8 : i32
    %mul3A_217 = arith.muli %rem3A_215, %mul3A_216 : i32
    %dma_start3A_218 = arith.constant 0 : i32
    %dma_start3A_219 = arith.constant 2048 : i32
    %dma_start3A_220 = tpu.memref_slice %arg2[%dma_start3A_218, %mul3A_217, %dma_start3A_219] : memref<128x64x4096xf32, #tpu.memory_space<hbm>> -> memref<128x8x2048xf32, #tpu.memory_space<hbm>>
    tpu.enqueue_indirect_dma source(%dma_start3A_220 : memref<128x8x2048xf32, #tpu.memory_space<hbm>>) target(%arg6 : memref<2x8x2048xf32, #tpu.memory_space<vmem>>) offsets(%arg5 : memref<2xi32, #tpu.memory_space<vmem>>) semaphore(%arg9 : memref<!tpu.dma_semaphore, #tpu.memory_space<semaphore_mem>>)
    %dma_wait3A_221 = arith.constant 0 : i32
    %dma_wait3A_222 = arith.constant 2048 : i32
    %dma_wait3A_223 = tpu.memref_slice %arg2[%dma_wait3A_221, %mul3A_161, %dma_wait3A_222] : memref<128x64x4096xf32, #tpu.memory_space<hbm>> -> memref<128x8x2048xf32, #tpu.memory_space<hbm>>
    tpu.wait_indirect_dma semaphore(%arg10 : memref<!tpu.dma_semaphore, #tpu.memory_space<semaphore_mem>>) src(%dma_wait3A_223 : memref<128x8x2048xf32, #tpu.memory_space<hbm>>) dst(%arg7 : memref<2x8x2048xf32, #tpu.memory_space<vmem>>)
    %mul3A_224 = arith.constant 2 : i32
    %mul3A_225 = arith.muli %add3A, %mul3A_224 : i32
    %add3A_226 = arith.constant 3 : i32
    %add3A_227 = arith.addi %add3A_226, %add3A : i32
    %rem3A_228 = arith.constant 8 : i32
    %rem3A_229 = arith.remsi %add3A_227, %rem3A_228 : i32
    %mul3A_230 = arith.constant 8 : i32
    %mul3A_231 = arith.muli %rem3A_229, %mul3A_230 : i32
    %dma_start3A_232 = arith.constant 2048 : i32
    %dma_start3A_233 = tpu.memref_slice %arg4[%mul3A_225, %mul3A_231, %dma_start3A_232] : memref<64x64x4096xf32, #tpu.memory_space<hbm>> -> memref<2x8x2048xf32, #tpu.memory_space<hbm>>
    %dma_start3A_234 = arith.constant 2048 : i32
    %dma_start3A_235 = tpu.memref_slice %arg4[%mul3A_225, %mul3A_231, %dma_start3A_234] : memref<64x64x4096xf32, #tpu.memory_space<hbm>> -> memref<2x8x2048xf32, #tpu.memory_space<hbm>>
    tpu.enqueue_dma source(%arg7 : memref<2x8x2048xf32, #tpu.memory_space<vmem>>) target(%dma_start3A_235 : memref<2x8x2048xf32, #tpu.memory_space<hbm>>) target_semaphore(%arg13 : memref<!tpu.dma_semaphore, #tpu.memory_space<semaphore_mem>>)
    %dma_wait3A_236 = arith.constant 2048 : i32
    %dma_wait3A_237 = tpu.memref_slice %arg4[%mul3A_225, %mul3A_231, %dma_wait3A_236] : memref<64x64x4096xf32, #tpu.memory_space<hbm>> -> memref<2x8x2048xf32, #tpu.memory_space<hbm>>
    %dma_wait3A_238 = arith.constant 2048 : i32
    %dma_wait3A_239 = tpu.memref_slice %arg4[%mul3A_225, %mul3A_231, %dma_wait3A_238] : memref<64x64x4096xf32, #tpu.memory_space<hbm>> -> memref<2x8x2048xf32, #tpu.memory_space<hbm>>
    tpu.wait_dma2 semaphore(%arg13 : memref<!tpu.dma_semaphore, #tpu.memory_space<semaphore_mem>>) src(%arg7 : memref<2x8x2048xf32, #tpu.memory_space<vmem>>) dst(%dma_wait3A_239 : memref<2x8x2048xf32, #tpu.memory_space<hbm>>)
    %add3A_240 = arith.constant 5 : i32
    %add3A_241 = arith.addi %add3A_240, %add3A : i32
    %rem3A_242 = arith.constant 8 : i32
    %rem3A_243 = arith.remsi %add3A_241, %rem3A_242 : i32
    %mul3A_244 = arith.constant 8 : i32
    %mul3A_245 = arith.muli %rem3A_243, %mul3A_244 : i32
    %dma_start3A_246 = arith.constant 0 : i32
    %dma_start3A_247 = arith.constant 0 : i32
    %dma_start3A_248 = tpu.memref_slice %arg2[%dma_start3A_246, %mul3A_245, %dma_start3A_247] : memref<128x64x4096xf32, #tpu.memory_space<hbm>> -> memref<128x8x2048xf32, #tpu.memory_space<hbm>>
    tpu.enqueue_indirect_dma source(%dma_start3A_248 : memref<128x8x2048xf32, #tpu.memory_space<hbm>>) target(%arg7 : memref<2x8x2048xf32, #tpu.memory_space<vmem>>) offsets(%arg5 : memref<2xi32, #tpu.memory_space<vmem>>) semaphore(%arg10 : memref<!tpu.dma_semaphore, #tpu.memory_space<semaphore_mem>>)
    %dma_wait3A_249 = arith.constant 0 : i32
    %dma_wait3A_250 = arith.constant 0 : i32
    %dma_wait3A_251 = tpu.memref_slice %arg2[%dma_wait3A_249, %mul3A_189, %dma_wait3A_250] : memref<128x64x4096xf32, #tpu.memory_space<hbm>> -> memref<128x8x2048xf32, #tpu.memory_space<hbm>>
    tpu.wait_indirect_dma semaphore(%arg11 : memref<!tpu.dma_semaphore, #tpu.memory_space<semaphore_mem>>) src(%dma_wait3A_251 : memref<128x8x2048xf32, #tpu.memory_space<hbm>>) dst(%arg8 : memref<2x8x2048xf32, #tpu.memory_space<vmem>>)
    %mul3A_252 = arith.constant 2 : i32
    %mul3A_253 = arith.muli %add3A, %mul3A_252 : i32
    %add3A_254 = arith.constant 4 : i32
    %add3A_255 = arith.addi %add3A_254, %add3A : i32
    %rem3A_256 = arith.constant 8 : i32
    %rem3A_257 = arith.remsi %add3A_255, %rem3A_256 : i32
    %mul3A_258 = arith.constant 8 : i32
    %mul3A_259 = arith.muli %rem3A_257, %mul3A_258 : i32
    %dma_start3A_260 = arith.constant 0 : i32
    %dma_start3A_261 = tpu.memref_slice %arg4[%mul3A_253, %mul3A_259, %dma_start3A_260] : memref<64x64x4096xf32, #tpu.memory_space<hbm>> -> memref<2x8x2048xf32, #tpu.memory_space<hbm>>
    %dma_start3A_262 = arith.constant 0 : i32
    %dma_start3A_263 = tpu.memref_slice %arg4[%mul3A_253, %mul3A_259, %dma_start3A_262] : memref<64x64x4096xf32, #tpu.memory_space<hbm>> -> memref<2x8x2048xf32, #tpu.memory_space<hbm>>
    tpu.enqueue_dma source(%arg8 : memref<2x8x2048xf32, #tpu.memory_space<vmem>>) target(%dma_start3A_263 : memref<2x8x2048xf32, #tpu.memory_space<hbm>>) target_semaphore(%arg14 : memref<!tpu.dma_semaphore, #tpu.memory_space<semaphore_mem>>)
    %dma_wait3A_264 = arith.constant 0 : i32
    %dma_wait3A_265 = tpu.memref_slice %arg4[%mul3A_253, %mul3A_259, %dma_wait3A_264] : memref<64x64x4096xf32, #tpu.memory_space<hbm>> -> memref<2x8x2048xf32, #tpu.memory_space<hbm>>
    %dma_wait3A_266 = arith.constant 0 : i32
    %dma_wait3A_267 = tpu.memref_slice %arg4[%mul3A_253, %mul3A_259, %dma_wait3A_266] : memref<64x64x4096xf32, #tpu.memory_space<hbm>> -> memref<2x8x2048xf32, #tpu.memory_space<hbm>>
    tpu.wait_dma2 semaphore(%arg14 : memref<!tpu.dma_semaphore, #tpu.memory_space<semaphore_mem>>) src(%arg8 : memref<2x8x2048xf32, #tpu.memory_space<vmem>>) dst(%dma_wait3A_267 : memref<2x8x2048xf32, #tpu.memory_space<hbm>>)
    %add3A_268 = arith.constant 5 : i32
    %add3A_269 = arith.addi %add3A_268, %add3A : i32
    %rem3A_270 = arith.constant 8 : i32
    %rem3A_271 = arith.remsi %add3A_269, %rem3A_270 : i32
    %mul3A_272 = arith.constant 8 : i32
    %mul3A_273 = arith.muli %rem3A_271, %mul3A_272 : i32
    %dma_start3A_274 = arith.constant 0 : i32
    %dma_start3A_275 = arith.constant 2048 : i32
    %dma_start3A_276 = tpu.memref_slice %arg2[%dma_start3A_274, %mul3A_273, %dma_start3A_275] : memref<128x64x4096xf32, #tpu.memory_space<hbm>> -> memref<128x8x2048xf32, #tpu.memory_space<hbm>>
    tpu.enqueue_indirect_dma source(%dma_start3A_276 : memref<128x8x2048xf32, #tpu.memory_space<hbm>>) target(%arg8 : memref<2x8x2048xf32, #tpu.memory_space<vmem>>) offsets(%arg5 : memref<2xi32, #tpu.memory_space<vmem>>) semaphore(%arg11 : memref<!tpu.dma_semaphore, #tpu.memory_space<semaphore_mem>>)
    %dma_wait3A_277 = arith.constant 0 : i32
    %dma_wait3A_278 = arith.constant 2048 : i32
    %dma_wait3A_279 = tpu.memref_slice %arg2[%dma_wait3A_277, %mul3A_217, %dma_wait3A_278] : memref<128x64x4096xf32, #tpu.memory_space<hbm>> -> memref<128x8x2048xf32, #tpu.memory_space<hbm>>
    tpu.wait_indirect_dma semaphore(%arg9 : memref<!tpu.dma_semaphore, #tpu.memory_space<semaphore_mem>>) src(%dma_wait3A_279 : memref<128x8x2048xf32, #tpu.memory_space<hbm>>) dst(%arg6 : memref<2x8x2048xf32, #tpu.memory_space<vmem>>)
    %mul3A_280 = arith.constant 2 : i32
    %mul3A_281 = arith.muli %add3A, %mul3A_280 : i32
    %add3A_282 = arith.constant 4 : i32
    %add3A_283 = arith.addi %add3A_282, %add3A : i32
    %rem3A_284 = arith.constant 8 : i32
    %rem3A_285 = arith.remsi %add3A_283, %rem3A_284 : i32
    %mul3A_286 = arith.constant 8 : i32
    %mul3A_287 = arith.muli %rem3A_285, %mul3A_286 : i32
    %dma_start3A_288 = arith.constant 2048 : i32
    %dma_start3A_289 = tpu.memref_slice %arg4[%mul3A_281, %mul3A_287, %dma_start3A_288] : memref<64x64x4096xf32, #tpu.memory_space<hbm>> -> memref<2x8x2048xf32, #tpu.memory_space<hbm>>
    %dma_start3A_290 = arith.constant 2048 : i32
    %dma_start3A_291 = tpu.memref_slice %arg4[%mul3A_281, %mul3A_287, %dma_start3A_290] : memref<64x64x4096xf32, #tpu.memory_space<hbm>> -> memref<2x8x2048xf32, #tpu.memory_space<hbm>>
    tpu.enqueue_dma source(%arg6 : memref<2x8x2048xf32, #tpu.memory_space<vmem>>) target(%dma_start3A_291 : memref<2x8x2048xf32, #tpu.memory_space<hbm>>) target_semaphore(%arg12 : memref<!tpu.dma_semaphore, #tpu.memory_space<semaphore_mem>>)
    %dma_wait3A_292 = arith.constant 2048 : i32
    %dma_wait3A_293 = tpu.memref_slice %arg4[%mul3A_281, %mul3A_287, %dma_wait3A_292] : memref<64x64x4096xf32, #tpu.memory_space<hbm>> -> memref<2x8x2048xf32, #tpu.memory_space<hbm>>
    %dma_wait3A_294 = arith.constant 2048 : i32
    %dma_wait3A_295 = tpu.memref_slice %arg4[%mul3A_281, %mul3A_287, %dma_wait3A_294] : memref<64x64x4096xf32, #tpu.memory_space<hbm>> -> memref<2x8x2048xf32, #tpu.memory_space<hbm>>
    tpu.wait_dma2 semaphore(%arg12 : memref<!tpu.dma_semaphore, #tpu.memory_space<semaphore_mem>>) src(%arg6 : memref<2x8x2048xf32, #tpu.memory_space<vmem>>) dst(%dma_wait3A_295 : memref<2x8x2048xf32, #tpu.memory_space<hbm>>)
    %add3A_296 = arith.constant 6 : i32
    %add3A_297 = arith.addi %add3A_296, %add3A : i32
    %rem3A_298 = arith.constant 8 : i32
    %rem3A_299 = arith.remsi %add3A_297, %rem3A_298 : i32
    %mul3A_300 = arith.constant 8 : i32
    %mul3A_301 = arith.muli %rem3A_299, %mul3A_300 : i32
    %dma_start3A_302 = arith.constant 0 : i32
    %dma_start3A_303 = arith.constant 0 : i32
    %dma_start3A_304 = tpu.memref_slice %arg2[%dma_start3A_302, %mul3A_301, %dma_start3A_303] : memref<128x64x4096xf32, #tpu.memory_space<hbm>> -> memref<128x8x2048xf32, #tpu.memory_space<hbm>>
    tpu.enqueue_indirect_dma source(%dma_start3A_304 : memref<128x8x2048xf32, #tpu.memory_space<hbm>>) target(%arg6 : memref<2x8x2048xf32, #tpu.memory_space<vmem>>) offsets(%arg5 : memref<2xi32, #tpu.memory_space<vmem>>) semaphore(%arg9 : memref<!tpu.dma_semaphore, #tpu.memory_space<semaphore_mem>>)
    %dma_wait3A_305 = arith.constant 0 : i32
    %dma_wait3A_306 = arith.constant 0 : i32
    %dma_wait3A_307 = tpu.memref_slice %arg2[%dma_wait3A_305, %mul3A_245, %dma_wait3A_306] : memref<128x64x4096xf32, #tpu.memory_space<hbm>> -> memref<128x8x2048xf32, #tpu.memory_space<hbm>>
    tpu.wait_indirect_dma semaphore(%arg10 : memref<!tpu.dma_semaphore, #tpu.memory_space<semaphore_mem>>) src(%dma_wait3A_307 : memref<128x8x2048xf32, #tpu.memory_space<hbm>>) dst(%arg7 : memref<2x8x2048xf32, #tpu.memory_space<vmem>>)
    %mul3A_308 = arith.constant 2 : i32
    %mul3A_309 = arith.muli %add3A, %mul3A_308 : i32
    %add3A_310 = arith.constant 5 : i32
    %add3A_311 = arith.addi %add3A_310, %add3A : i32
    %rem3A_312 = arith.constant 8 : i32
    %rem3A_313 = arith.remsi %add3A_311, %rem3A_312 : i32
    %mul3A_314 = arith.constant 8 : i32
    %mul3A_315 = arith.muli %rem3A_313, %mul3A_314 : i32
    %dma_start3A_316 = arith.constant 0 : i32
    %dma_start3A_317 = tpu.memref_slice %arg4[%mul3A_309, %mul3A_315, %dma_start3A_316] : memref<64x64x4096xf32, #tpu.memory_space<hbm>> -> memref<2x8x2048xf32, #tpu.memory_space<hbm>>
    %dma_start3A_318 = arith.constant 0 : i32
    %dma_start3A_319 = tpu.memref_slice %arg4[%mul3A_309, %mul3A_315, %dma_start3A_318] : memref<64x64x4096xf32, #tpu.memory_space<hbm>> -> memref<2x8x2048xf32, #tpu.memory_space<hbm>>
    tpu.enqueue_dma source(%arg7 : memref<2x8x2048xf32, #tpu.memory_space<vmem>>) target(%dma_start3A_319 : memref<2x8x2048xf32, #tpu.memory_space<hbm>>) target_semaphore(%arg13 : memref<!tpu.dma_semaphore, #tpu.memory_space<semaphore_mem>>)
    %dma_wait3A_320 = arith.constant 0 : i32
    %dma_wait3A_321 = tpu.memref_slice %arg4[%mul3A_309, %mul3A_315, %dma_wait3A_320] : memref<64x64x4096xf32, #tpu.memory_space<hbm>> -> memref<2x8x2048xf32, #tpu.memory_space<hbm>>
    %dma_wait3A_322 = arith.constant 0 : i32
    %dma_wait3A_323 = tpu.memref_slice %arg4[%mul3A_309, %mul3A_315, %dma_wait3A_322] : memref<64x64x4096xf32, #tpu.memory_space<hbm>> -> memref<2x8x2048xf32, #tpu.memory_space<hbm>>
    tpu.wait_dma2 semaphore(%arg13 : memref<!tpu.dma_semaphore, #tpu.memory_space<semaphore_mem>>) src(%arg7 : memref<2x8x2048xf32, #tpu.memory_space<vmem>>) dst(%dma_wait3A_323 : memref<2x8x2048xf32, #tpu.memory_space<hbm>>)
    %add3A_324 = arith.constant 6 : i32
    %add3A_325 = arith.addi %add3A_324, %add3A : i32
    %rem3A_326 = arith.constant 8 : i32
    %rem3A_327 = arith.remsi %add3A_325, %rem3A_326 : i32
    %mul3A_328 = arith.constant 8 : i32
    %mul3A_329 = arith.muli %rem3A_327, %mul3A_328 : i32
    %dma_start3A_330 = arith.constant 0 : i32
    %dma_start3A_331 = arith.constant 2048 : i32
    %dma_start3A_332 = tpu.memref_slice %arg2[%dma_start3A_330, %mul3A_329, %dma_start3A_331] : memref<128x64x4096xf32, #tpu.memory_space<hbm>> -> memref<128x8x2048xf32, #tpu.memory_space<hbm>>
    tpu.enqueue_indirect_dma source(%dma_start3A_332 : memref<128x8x2048xf32, #tpu.memory_space<hbm>>) target(%arg7 : memref<2x8x2048xf32, #tpu.memory_space<vmem>>) offsets(%arg5 : memref<2xi32, #tpu.memory_space<vmem>>) semaphore(%arg10 : memref<!tpu.dma_semaphore, #tpu.memory_space<semaphore_mem>>)
    %dma_wait3A_333 = arith.constant 0 : i32
    %dma_wait3A_334 = arith.constant 2048 : i32
    %dma_wait3A_335 = tpu.memref_slice %arg2[%dma_wait3A_333, %mul3A_273, %dma_wait3A_334] : memref<128x64x4096xf32, #tpu.memory_space<hbm>> -> memref<128x8x2048xf32, #tpu.memory_space<hbm>>
    tpu.wait_indirect_dma semaphore(%arg11 : memref<!tpu.dma_semaphore, #tpu.memory_space<semaphore_mem>>) src(%dma_wait3A_335 : memref<128x8x2048xf32, #tpu.memory_space<hbm>>) dst(%arg8 : memref<2x8x2048xf32, #tpu.memory_space<vmem>>)
    %mul3A_336 = arith.constant 2 : i32
    %mul3A_337 = arith.muli %add3A, %mul3A_336 : i32
    %add3A_338 = arith.constant 5 : i32
    %add3A_339 = arith.addi %add3A_338, %add3A : i32
    %rem3A_340 = arith.constant 8 : i32
    %rem3A_341 = arith.remsi %add3A_339, %rem3A_340 : i32
    %mul3A_342 = arith.constant 8 : i32
    %mul3A_343 = arith.muli %rem3A_341, %mul3A_342 : i32
    %dma_start3A_344 = arith.constant 2048 : i32
    %dma_start3A_345 = tpu.memref_slice %arg4[%mul3A_337, %mul3A_343, %dma_start3A_344] : memref<64x64x4096xf32, #tpu.memory_space<hbm>> -> memref<2x8x2048xf32, #tpu.memory_space<hbm>>
    %dma_start3A_346 = arith.constant 2048 : i32
    %dma_start3A_347 = tpu.memref_slice %arg4[%mul3A_337, %mul3A_343, %dma_start3A_346] : memref<64x64x4096xf32, #tpu.memory_space<hbm>> -> memref<2x8x2048xf32, #tpu.memory_space<hbm>>
    tpu.enqueue_dma source(%arg8 : memref<2x8x2048xf32, #tpu.memory_space<vmem>>) target(%dma_start3A_347 : memref<2x8x2048xf32, #tpu.memory_space<hbm>>) target_semaphore(%arg14 : memref<!tpu.dma_semaphore, #tpu.memory_space<semaphore_mem>>)
    %dma_wait3A_348 = arith.constant 2048 : i32
    %dma_wait3A_349 = tpu.memref_slice %arg4[%mul3A_337, %mul3A_343, %dma_wait3A_348] : memref<64x64x4096xf32, #tpu.memory_space<hbm>> -> memref<2x8x2048xf32, #tpu.memory_space<hbm>>
    %dma_wait3A_350 = arith.constant 2048 : i32
    %dma_wait3A_351 = tpu.memref_slice %arg4[%mul3A_337, %mul3A_343, %dma_wait3A_350] : memref<64x64x4096xf32, #tpu.memory_space<hbm>> -> memref<2x8x2048xf32, #tpu.memory_space<hbm>>
    tpu.wait_dma2 semaphore(%arg14 : memref<!tpu.dma_semaphore, #tpu.memory_space<semaphore_mem>>) src(%arg8 : memref<2x8x2048xf32, #tpu.memory_space<vmem>>) dst(%dma_wait3A_351 : memref<2x8x2048xf32, #tpu.memory_space<hbm>>)
    %add3A_352 = arith.constant 7 : i32
    %add3A_353 = arith.addi %add3A_352, %add3A : i32
    %rem3A_354 = arith.constant 8 : i32
    %rem3A_355 = arith.remsi %add3A_353, %rem3A_354 : i32
    %mul3A_356 = arith.constant 8 : i32
    %mul3A_357 = arith.muli %rem3A_355, %mul3A_356 : i32
    %dma_start3A_358 = arith.constant 0 : i32
    %dma_start3A_359 = arith.constant 0 : i32
    %dma_start3A_360 = tpu.memref_slice %arg2[%dma_start3A_358, %mul3A_357, %dma_start3A_359] : memref<128x64x4096xf32, #tpu.memory_space<hbm>> -> memref<128x8x2048xf32, #tpu.memory_space<hbm>>
    tpu.enqueue_indirect_dma source(%dma_start3A_360 : memref<128x8x2048xf32, #tpu.memory_space<hbm>>) target(%arg8 : memref<2x8x2048xf32, #tpu.memory_space<vmem>>) offsets(%arg5 : memref<2xi32, #tpu.memory_space<vmem>>) semaphore(%arg11 : memref<!tpu.dma_semaphore, #tpu.memory_space<semaphore_mem>>)
    %dma_wait3A_361 = arith.constant 0 : i32
    %dma_wait3A_362 = arith.constant 0 : i32
    %dma_wait3A_363 = tpu.memref_slice %arg2[%dma_wait3A_361, %mul3A_301, %dma_wait3A_362] : memref<128x64x4096xf32, #tpu.memory_space<hbm>> -> memref<128x8x2048xf32, #tpu.memory_space<hbm>>
    tpu.wait_indirect_dma semaphore(%arg9 : memref<!tpu.dma_semaphore, #tpu.memory_space<semaphore_mem>>) src(%dma_wait3A_363 : memref<128x8x2048xf32, #tpu.memory_space<hbm>>) dst(%arg6 : memref<2x8x2048xf32, #tpu.memory_space<vmem>>)
    %mul3A_364 = arith.constant 2 : i32
    %mul3A_365 = arith.muli %add3A, %mul3A_364 : i32
    %add3A_366 = arith.constant 6 : i32
    %add3A_367 = arith.addi %add3A_366, %add3A : i32
    %rem3A_368 = arith.constant 8 : i32
    %rem3A_369 = arith.remsi %add3A_367, %rem3A_368 : i32
    %mul3A_370 = arith.constant 8 : i32
    %mul3A_371 = arith.muli %rem3A_369, %mul3A_370 : i32
    %dma_start3A_372 = arith.constant 0 : i32
    %dma_start3A_373 = tpu.memref_slice %arg4[%mul3A_365, %mul3A_371, %dma_start3A_372] : memref<64x64x4096xf32, #tpu.memory_space<hbm>> -> memref<2x8x2048xf32, #tpu.memory_space<hbm>>
    %dma_start3A_374 = arith.constant 0 : i32
    %dma_start3A_375 = tpu.memref_slice %arg4[%mul3A_365, %mul3A_371, %dma_start3A_374] : memref<64x64x4096xf32, #tpu.memory_space<hbm>> -> memref<2x8x2048xf32, #tpu.memory_space<hbm>>
    tpu.enqueue_dma source(%arg6 : memref<2x8x2048xf32, #tpu.memory_space<vmem>>) target(%dma_start3A_375 : memref<2x8x2048xf32, #tpu.memory_space<hbm>>) target_semaphore(%arg12 : memref<!tpu.dma_semaphore, #tpu.memory_space<semaphore_mem>>)
    %dma_wait3A_376 = arith.constant 0 : i32
    %dma_wait3A_377 = tpu.memref_slice %arg4[%mul3A_365, %mul3A_371, %dma_wait3A_376] : memref<64x64x4096xf32, #tpu.memory_space<hbm>> -> memref<2x8x2048xf32, #tpu.memory_space<hbm>>
    %dma_wait3A_378 = arith.constant 0 : i32
    %dma_wait3A_379 = tpu.memref_slice %arg4[%mul3A_365, %mul3A_371, %dma_wait3A_378] : memref<64x64x4096xf32, #tpu.memory_space<hbm>> -> memref<2x8x2048xf32, #tpu.memory_space<hbm>>
    tpu.wait_dma2 semaphore(%arg12 : memref<!tpu.dma_semaphore, #tpu.memory_space<semaphore_mem>>) src(%arg6 : memref<2x8x2048xf32, #tpu.memory_space<vmem>>) dst(%dma_wait3A_379 : memref<2x8x2048xf32, #tpu.memory_space<hbm>>)
    %add3A_380 = arith.constant 7 : i32
    %add3A_381 = arith.addi %add3A_380, %add3A : i32
    %rem3A_382 = arith.constant 8 : i32
    %rem3A_383 = arith.remsi %add3A_381, %rem3A_382 : i32
    %mul3A_384 = arith.constant 8 : i32
    %mul3A_385 = arith.muli %rem3A_383, %mul3A_384 : i32
    %dma_start3A_386 = arith.constant 0 : i32
    %dma_start3A_387 = arith.constant 2048 : i32
    %dma_start3A_388 = tpu.memref_slice %arg2[%dma_start3A_386, %mul3A_385, %dma_start3A_387] : memref<128x64x4096xf32, #tpu.memory_space<hbm>> -> memref<128x8x2048xf32, #tpu.memory_space<hbm>>
    tpu.enqueue_indirect_dma source(%dma_start3A_388 : memref<128x8x2048xf32, #tpu.memory_space<hbm>>) target(%arg6 : memref<2x8x2048xf32, #tpu.memory_space<vmem>>) offsets(%arg5 : memref<2xi32, #tpu.memory_space<vmem>>) semaphore(%arg9 : memref<!tpu.dma_semaphore, #tpu.memory_space<semaphore_mem>>)
    %dma_wait3A_389 = arith.constant 0 : i32
    %dma_wait3A_390 = arith.constant 2048 : i32
    %dma_wait3A_391 = tpu.memref_slice %arg2[%dma_wait3A_389, %mul3A_329, %dma_wait3A_390] : memref<128x64x4096xf32, #tpu.memory_space<hbm>> -> memref<128x8x2048xf32, #tpu.memory_space<hbm>>
    tpu.wait_indirect_dma semaphore(%arg10 : memref<!tpu.dma_semaphore, #tpu.memory_space<semaphore_mem>>) src(%dma_wait3A_391 : memref<128x8x2048xf32, #tpu.memory_space<hbm>>) dst(%arg7 : memref<2x8x2048xf32, #tpu.memory_space<vmem>>)
    %mul3A_392 = arith.constant 2 : i32
    %mul3A_393 = arith.muli %add3A, %mul3A_392 : i32
    %add3A_394 = arith.constant 6 : i32
    %add3A_395 = arith.addi %add3A_394, %add3A : i32
    %rem3A_396 = arith.constant 8 : i32
    %rem3A_397 = arith.remsi %add3A_395, %rem3A_396 : i32
    %mul3A_398 = arith.constant 8 : i32
    %mul3A_399 = arith.muli %rem3A_397, %mul3A_398 : i32
    %dma_start3A_400 = arith.constant 2048 : i32
    %dma_start3A_401 = tpu.memref_slice %arg4[%mul3A_393, %mul3A_399, %dma_start3A_400] : memref<64x64x4096xf32, #tpu.memory_space<hbm>> -> memref<2x8x2048xf32, #tpu.memory_space<hbm>>
    %dma_start3A_402 = arith.constant 2048 : i32
    %dma_start3A_403 = tpu.memref_slice %arg4[%mul3A_393, %mul3A_399, %dma_start3A_402] : memref<64x64x4096xf32, #tpu.memory_space<hbm>> -> memref<2x8x2048xf32, #tpu.memory_space<hbm>>
    tpu.enqueue_dma source(%arg7 : memref<2x8x2048xf32, #tpu.memory_space<vmem>>) target(%dma_start3A_403 : memref<2x8x2048xf32, #tpu.memory_space<hbm>>) target_semaphore(%arg13 : memref<!tpu.dma_semaphore, #tpu.memory_space<semaphore_mem>>)
    %dma_wait3A_404 = arith.constant 0 : i32
    %dma_wait3A_405 = arith.constant 0 : i32
    %dma_wait3A_406 = tpu.memref_slice %arg2[%dma_wait3A_404, %mul3A_357, %dma_wait3A_405] : memref<128x64x4096xf32, #tpu.memory_space<hbm>> -> memref<128x8x2048xf32, #tpu.memory_space<hbm>>
    tpu.wait_indirect_dma semaphore(%arg11 : memref<!tpu.dma_semaphore, #tpu.memory_space<semaphore_mem>>) src(%dma_wait3A_406 : memref<128x8x2048xf32, #tpu.memory_space<hbm>>) dst(%arg8 : memref<2x8x2048xf32, #tpu.memory_space<vmem>>)
    %mul3A_407 = arith.constant 2 : i32
    %mul3A_408 = arith.muli %add3A, %mul3A_407 : i32
    %add3A_409 = arith.constant 7 : i32
    %add3A_410 = arith.addi %add3A_409, %add3A : i32
    %rem3A_411 = arith.constant 8 : i32
    %rem3A_412 = arith.remsi %add3A_410, %rem3A_411 : i32
    %mul3A_413 = arith.constant 8 : i32
    %mul3A_414 = arith.muli %rem3A_412, %mul3A_413 : i32
    %dma_start3A_415 = arith.constant 0 : i32
    %dma_start3A_416 = tpu.memref_slice %arg4[%mul3A_408, %mul3A_414, %dma_start3A_415] : memref<64x64x4096xf32, #tpu.memory_space<hbm>> -> memref<2x8x2048xf32, #tpu.memory_space<hbm>>
    %dma_start3A_417 = arith.constant 0 : i32
    %dma_start3A_418 = tpu.memref_slice %arg4[%mul3A_408, %mul3A_414, %dma_start3A_417] : memref<64x64x4096xf32, #tpu.memory_space<hbm>> -> memref<2x8x2048xf32, #tpu.memory_space<hbm>>
    tpu.enqueue_dma source(%arg8 : memref<2x8x2048xf32, #tpu.memory_space<vmem>>) target(%dma_start3A_418 : memref<2x8x2048xf32, #tpu.memory_space<hbm>>) target_semaphore(%arg14 : memref<!tpu.dma_semaphore, #tpu.memory_space<semaphore_mem>>)
    %dma_wait3A_419 = arith.constant 0 : i32
    %dma_wait3A_420 = arith.constant 2048 : i32
    %dma_wait3A_421 = tpu.memref_slice %arg2[%dma_wait3A_419, %mul3A_385, %dma_wait3A_420] : memref<128x64x4096xf32, #tpu.memory_space<hbm>> -> memref<128x8x2048xf32, #tpu.memory_space<hbm>>
    tpu.wait_indirect_dma semaphore(%arg9 : memref<!tpu.dma_semaphore, #tpu.memory_space<semaphore_mem>>) src(%dma_wait3A_421 : memref<128x8x2048xf32, #tpu.memory_space<hbm>>) dst(%arg6 : memref<2x8x2048xf32, #tpu.memory_space<vmem>>)
    %mul3A_422 = arith.constant 2 : i32
    %mul3A_423 = arith.muli %add3A, %mul3A_422 : i32
    %add3A_424 = arith.constant 7 : i32
    %add3A_425 = arith.addi %add3A_424, %add3A : i32
    %rem3A_426 = arith.constant 8 : i32
    %rem3A_427 = arith.remsi %add3A_425, %rem3A_426 : i32
    %mul3A_428 = arith.constant 8 : i32
    %mul3A_429 = arith.muli %rem3A_427, %mul3A_428 : i32
    %dma_start3A_430 = arith.constant 2048 : i32
    %dma_start3A_431 = tpu.memref_slice %arg4[%mul3A_423, %mul3A_429, %dma_start3A_430] : memref<64x64x4096xf32, #tpu.memory_space<hbm>> -> memref<2x8x2048xf32, #tpu.memory_space<hbm>>
    %dma_start3A_432 = arith.constant 2048 : i32
    %dma_start3A_433 = tpu.memref_slice %arg4[%mul3A_423, %mul3A_429, %dma_start3A_432] : memref<64x64x4096xf32, #tpu.memory_space<hbm>> -> memref<2x8x2048xf32, #tpu.memory_space<hbm>>
    tpu.enqueue_dma source(%arg6 : memref<2x8x2048xf32, #tpu.memory_space<vmem>>) target(%dma_start3A_433 : memref<2x8x2048xf32, #tpu.memory_space<hbm>>) target_semaphore(%arg12 : memref<!tpu.dma_semaphore, #tpu.memory_space<semaphore_mem>>)
    %dma_wait3A_434 = arith.constant 2048 : i32
    %dma_wait3A_435 = tpu.memref_slice %arg4[%mul3A_423, %mul3A_429, %dma_wait3A_434] : memref<64x64x4096xf32, #tpu.memory_space<hbm>> -> memref<2x8x2048xf32, #tpu.memory_space<hbm>>
    %dma_wait3A_436 = arith.constant 2048 : i32
    %dma_wait3A_437 = tpu.memref_slice %arg4[%mul3A_423, %mul3A_429, %dma_wait3A_436] : memref<64x64x4096xf32, #tpu.memory_space<hbm>> -> memref<2x8x2048xf32, #tpu.memory_space<hbm>>
    tpu.wait_dma2 semaphore(%arg12 : memref<!tpu.dma_semaphore, #tpu.memory_space<semaphore_mem>>) src(%arg6 : memref<2x8x2048xf32, #tpu.memory_space<vmem>>) dst(%dma_wait3A_437 : memref<2x8x2048xf32, #tpu.memory_space<hbm>>)
    %dma_wait3A_438 = arith.constant 2048 : i32
    %dma_wait3A_439 = tpu.memref_slice %arg4[%mul3A_393, %mul3A_399, %dma_wait3A_438] : memref<64x64x4096xf32, #tpu.memory_space<hbm>> -> memref<2x8x2048xf32, #tpu.memory_space<hbm>>
    %dma_wait3A_440 = arith.constant 2048 : i32
    %dma_wait3A_441 = tpu.memref_slice %arg4[%mul3A_393, %mul3A_399, %dma_wait3A_440] : memref<64x64x4096xf32, #tpu.memory_space<hbm>> -> memref<2x8x2048xf32, #tpu.memory_space<hbm>>
    tpu.wait_dma2 semaphore(%arg13 : memref<!tpu.dma_semaphore, #tpu.memory_space<semaphore_mem>>) src(%arg7 : memref<2x8x2048xf32, #tpu.memory_space<vmem>>) dst(%dma_wait3A_441 : memref<2x8x2048xf32, #tpu.memory_space<hbm>>)
    %dma_wait3A_442 = arith.constant 0 : i32
    %dma_wait3A_443 = tpu.memref_slice %arg4[%mul3A_408, %mul3A_414, %dma_wait3A_442] : memref<64x64x4096xf32, #tpu.memory_space<hbm>> -> memref<2x8x2048xf32, #tpu.memory_space<hbm>>
    %dma_wait3A_444 = arith.constant 0 : i32
    %dma_wait3A_445 = tpu.memref_slice %arg4[%mul3A_408, %mul3A_414, %dma_wait3A_444] : memref<64x64x4096xf32, #tpu.memory_space<hbm>> -> memref<2x8x2048xf32, #tpu.memory_space<hbm>>
    tpu.wait_dma2 semaphore(%arg14 : memref<!tpu.dma_semaphore, #tpu.memory_space<semaphore_mem>>) src(%arg8 : memref<2x8x2048xf32, #tpu.memory_space<vmem>>) dst(%dma_wait3A_445 : memref<2x8x2048xf32, #tpu.memory_space<hbm>>)
    return
  }
}

</mosaic_0001>

<sc_bundles>
// kernel: _sc_gather.3.cloned.1.call-start
scs
__scs_entry_jumppad:
0x0: {  	(pc) =	sbr.rel $0x88, $3  }
0x1: {  	(tag) =	ssettag $0x0;
	lr =	simm.s32 $0x1  }
0x2: {  	[smem:$0x3F9F] =	sst lr;
	_ =	strace $0xD0000000  }
0x3: {  	_ = 	snop  }
0x4: {  	_ = 	snop  }
0x5: {  	_ = 	snop  }
0x6: {  	_ = 	snop  }
0x7: {  	_ = 	snop  }
__scs_overlays_trampoline_lowered:
0x8: {  	[smem:$0x3FAE] =	sst s0  }
0x9: {  	[smem:$0x3FAF] =	sst s1  }
0xa: {  	[smem:$0x3FB0] =	sst s2  }
0xb: {  	[smem:$0x3FB1] =	sst s3  }
0xc: {  	[smem:$0x3FB2] =	sst s4  }
0xd: {  	[smem:$0x3FB3] =	sst s5  }
0xe: {  	[smem:$0x3FB4] =	sst s6  }
0xf: {  	[smem:$0x3FB5] =	sst s7  }
0x10: {  	[smem:$0x3FB6] =	sst s8  }
0x11: {  	[smem:$0x3FB7] =	sst s9;
	s0 =	simm.s32 @!p0 $0x0  }
0x12: {  	s1 =	sld [smem:$0x3F9D];
	s0 =	simm.s32 @p0 $0x1  }
0x13: {  	[smem:$0x3FB8] =	sst s0;
	s0 =	simm.s32 @!p1 $0x0  }
0x14: {  	s2 =	sld [smem:$0x3F9C];
	s0 =	simm.s32 @p1 $0x1  }
0x15: {  	[smem:$0x3FB9] =	sst s0;
	s0 =	simm.s32 @!p2 $0x0  }
0x16: {  	s3 =	sld [smem:$0x3FDB];
	s0 =	simm.s32 @p2 $0x1  }
0x17: {  	s4 =	simm.s32 $0x1BF5;
	[smem:$0x3FBB] =	sst s0  }
0x18: {  	s0 =	sld [smem:$0x3F9E];
	_ =	swait.ge [sflag:s4], $0x0  }
0x19: {  	s7 =	sld [smem:$0x3F9F]  }
0x1a: {  	s8 =	sadd.s32 $0xFFFFE003, lr  }
0x1b: {  	s9 =	sadd.s32 $0xFFFFFEF7, lr;
	s5 =	simm.s32 $0xFFFFFFFF;
	p2 =	slt.u32 s8, $0xFFFFF086  }
0x1c: {  	p1 =	slt.u32 s9, $0xF7A;
	s5 =	simm.s32 @!p2 $0x0  }
0x1d: {  	s5 =	simm.s32 @p1 $0x1;
	p0 =	seq.s32 s7, s2  }
0x1e: {  	s7 =	smul.u32 @!p0 $0xF7A, s2;
	p2 =	seq.s32 @!p0 s5, $0x0  }
0x1f: {  	s9 =	smul.u32 $0xF7A, s1;
	s8 =	simm.s32 @!p0 $0x1BF5;
	p2 =	por !p2, p0  }
0x20: {  	[sflag:s8] =	ssyncset.s32 @!p0 $0xFFFFF086;
	s6 =	sadd.s32 @!p0 s3, s7;
	s7 =	simm.s32 @!p0 $0x108  }
0x21: {  	s3 =	sadd.s32 s3, s9;
	s6 =	sadd.s32 @!p0 $0x88, s6;
	s7 =	simm.s32 @p2 $0x1082  }
0x22: {  	[simem:s7], [sflag:s8] =	dma.local @!p0 [hbm:s6], $0xF7A  }
0x23: {  	s9 =	sor.u32 $0xD0000000, s2;
	s6 =	simm.s32 $0x108;
	_ =	swait.ge @!p0 [sflag:s8], $0x0  }
0x24: {  	s3 =	sadd.s32 $0x88, s3;
	s6 =	simm.s32 @!p1 $0x1082;
	[sflag:s4] =	ssyncset.s32 $0xFFFFF086  }
0x25: {  	[simem:s6], [sflag:s4] =	dma.local [hbm:s3], $0xF7A  }
0x26: {  	[smem:$0x3F9F] =	sst s1;
	(tag) =	ssettag s2;
	_ =	strace s9  }
0x27: {  	s1 =	sld [smem:$0x3FAF]  }
0x28: {  	s2 =	sld [smem:$0x3FB0]  }
0x29: {  	s4 =	sld [smem:$0x3FB2]  }
0x2a: {  	p0 =	seq.s32 s5, $0x0;
	s5 =	sld [smem:$0x3FB3]  }
0x2b: {  	s6 =	sld [smem:$0x3FB4]  }
0x2c: {  	s7 =	sld [smem:$0x3FB5]  }
0x2d: {  	s3 =	simm.s32 $0x108;
	s8 =	sld [smem:$0x3FB6]  }
0x2e: {  	s3 =	simm.s32 @!p0 $0x1082;
	s9 =	sld [smem:$0x3FB7]  }
0x2f: {  	lr =	sadd.s32 s0, s3;
	s0 =	sld [smem:$0x3FAE]  }
0x30: {  	s3 =	sld [smem:$0x3FB1]  }
0x31: {  	[smem:$0x3FBA] =	sst s10  }
0x32: {  	s10 =	sld [smem:$0x3FB8];
	_ =	sdelay $0x3  }
0x33: {  	p0 =	seq.s32 s10, $0x1;
	s10 =	sld [smem:$0x3FBA];
	_ =	sdelay $0x3  }
0x34: {  	[smem:$0x3FBA] =	sst s10  }
0x35: {  	s10 =	sld [smem:$0x3FB9];
	_ =	sdelay $0x3  }
0x36: {  	p1 =	seq.s32 s10, $0x1;
	s10 =	sld [smem:$0x3FBA];
	_ =	sdelay $0x3  }
0x37: {  	[smem:$0x3FBA] =	sst s10  }
0x38: {  	s10 =	sld [smem:$0x3FBB]  }
0x39: {  	_ = 	snop;
	(pc) =	sbr.ind lr, $3  }
0x3a: {  	_ = 	snop  }
0x3b: {  	_ = 	snop  }
0x3c: {  	p2 =	seq.s32 s10, $0x1;
	s10 =	sld [smem:$0x3FBA]  }
0x3d: {  	_ =	shalt  }
0x3e: {  	_ =	shalt  }
0x3f: {  	_ =	shalt  }
0x40: {  	_ =	shalt  }
0x41: {  	_ =	shalt  }
0x42: {  	_ =	shalt  }
0x43: {  	_ =	shalt  }
0x44: {  	_ =	shalt  }
0x45: {  	_ =	shalt  }
0x46: {  	_ =	shalt  }
0x47: {  	_ =	shalt  }
0x48: {  	_ =	shalt  }
0x49: {  	_ =	shalt  }
0x4a: {  	_ =	shalt  }
0x4b: {  	_ =	shalt  }
0x4c: {  	_ =	shalt  }
0x4d: {  	_ =	shalt  }
0x4e: {  	_ =	shalt  }
0x4f: {  	_ =	shalt  }
0x50: {  	_ =	shalt  }
0x51: {  	_ =	shalt  }
0x52: {  	_ =	shalt  }
0x53: {  	_ =	shalt  }
0x54: {  	_ =	shalt  }
0x55: {  	_ =	shalt  }
0x56: {  	_ =	shalt  }
0x57: {  	_ =	shalt  }
0x58: {  	_ =	shalt  }
0x59: {  	_ =	shalt  }
0x5a: {  	_ =	shalt  }
0x5b: {  	_ =	shalt  }
0x5c: {  	_ =	shalt  }
0x5d: {  	_ =	shalt  }
0x5e: {  	_ =	shalt  }
0x5f: {  	_ =	shalt  }
0x60: {  	_ =	shalt  }
0x61: {  	_ =	shalt  }
0x62: {  	_ =	shalt  }
0x63: {  	_ =	shalt  }
0x64: {  	_ =	shalt  }
0x65: {  	_ =	shalt  }
0x66: {  	_ =	shalt  }
0x67: {  	_ =	shalt  }
0x68: {  	_ =	shalt  }
0x69: {  	_ =	shalt  }
0x6a: {  	_ =	shalt  }
0x6b: {  	_ =	shalt  }
0x6c: {  	_ =	shalt  }
0x6d: {  	_ =	shalt  }
0x6e: {  	_ =	shalt  }
0x6f: {  	_ =	shalt  }
0x70: {  	_ =	shalt  }
0x71: {  	_ =	shalt  }
0x72: {  	_ =	shalt  }
0x73: {  	_ =	shalt  }
0x74: {  	_ =	shalt  }
0x75: {  	_ =	shalt  }
0x76: {  	_ =	shalt  }
0x77: {  	_ =	shalt  }
0x78: {  	_ =	shalt  }
0x79: {  	_ =	shalt  }
0x7a: {  	_ =	shalt  }
0x7b: {  	_ =	shalt  }
0x7c: {  	_ =	shalt  }
0x7d: {  	_ =	shalt  }
0x7e: {  	_ =	shalt  }
0x7f: {  	_ =	shalt  }
0x80: {  	_ =	shalt  }
0x81: {  	_ =	shalt  }
0x82: {  	_ =	shalt  }
0x83: {  	_ =	shalt  }
0x84: {  	_ =	shalt  }
0x85: {  	_ =	shalt  }
0x86: {  	_ =	shalt  }
0x87: {  	_ =	shalt  }
.Lfunc_end0:
.L_simem_size_0:
called_computation_lowered:
.L_overlay_start_0:
0x88: {  	s2 =	sld [smem:$0x3FD9]  }
0x89: {  	s3 =	sld [smem:$0x3FFE];
	_ =	sdelay $0x1  }
0x8a: {  	s1 =	srdreg.scid  }
0x8b: {  	s0 =	sand.u32 $0x1, s1  }
0x8c: {  	s17 =	sshll.u32 s0, $0xA;
	s2 =	sadd.s32 s3, s2  }
0x8d: {  	s2 =	sadd.s32 s2, s17  }
0x8e: {  	[smem:$0x3FC6] =	sst s2  }
0x8f: {  	_ = 	snop  }
0x90: {  	s2 =	sld [smem:$0x3FC9]  }
0x91: {  	s18 =	sld [smem:$0x3FD0];
	(tm) =	ssettm $0x1  }
0x92: {  	s4 =	sld [smem:$0x3FFB];
	_ =	sdelay $0x3  }
0x93: {  	_ =	strace s4  }
0x94: {  	s4 =	sld [smem:$0x3FFC];
	_ =	sdelay $0x3  }
0x95: {  	_ =	strace s4  }
0x96: {  	s4 =	sld [smem:$0x3FFD];
	_ =	sdelay $0x3  }
0x97: {  	_ =	strace s4  }
0x98: {  	_ =	strace $0x8FFFFFFF  }
0x99: {  	s19 =	sld [smem:$0x3FDB];
	_ =	sdelay $0x1  }
0x9a: {  	s5 =	simm.s32 $_scs_section_size  }
0x9b: {  	s6 =	simm.s32 $_size__tile_overlayer_lowered;
	s7 =	simm.s32 $_tile_overlayer_lowered  }
0x9c: {  	s22 =	simm.s32 $0x1BFF;
	s21 =	sshll.u32 s7, $0x1;
	s4 =	sadd.s32 s5, s19  }
0x9d: {  	s8 =	simm.s32 $0x0;
	s20 =	sshll.u32 s6, $0x1;
	s6 =	sadd.s32 s21, s4  }
0x9e: {  	[timem:s8], [sflag:s22] =	dma.local [hbm:s6], s20  }
0x9f: {  	_ =	swait.ge [sflag:s22], s20  }
0xa0: {  	s5 =	ssub.s32 $0x0, s20;
	[sflag:s22] =	ssyncset.done $0x0  }
0xa1: {  	[sflag:s22] =	ssyncadd.s32 s5;
	_ =	sdelay $0x1  }
0xa2: {  	s23 =	simm.s32 $0x1B8B  }
0xa3: {  	_ =	swait.ge [sflag:s23], $0x1  }
0xa4: {  	[sflag:s23] =	ssyncset.done $0x0  }
0xa5: {  	s25 =	simm.s32 $0x1B8E;
	s24 =	sld [smem:$0x3FFE];
	[sflag:s23] =	ssyncadd.s32 $0xFFFFFFFF  }
0xa6: {  	s26 =	simm.s32 $execute0_lowered;
	[smem:$0x3FD2] =	sst s25  }
0xa7: {  	s6 =	sshll.u32 s26, $0x1;
	_ =	strace $0x80000046;
	[dreg:$0x1] =	wrdreg $0xFFFFFFFF  }
0xa8: {  	s28 =	simm.s32 $_size_execute0_lowered;
	s4 =	sadd.s32 s4, s6;
	[dreg:$0x0] =	wrdreg $0x0  }
0xa9: {  	s6 =	sshll.u32 s28, $0x1;
	[dreg:$0x2] =	wrdreg s4  }
0xaa: {  	[dreg:$0x3] =	wrdreg s6  }
0xab: {  	[dreg:$0x4] =	wrdreg $0xC0  }
0xac: {  	_ =	task [dreg:s8], $0x5FFFF  }
0xad: {  	[dreg:$0x1] =	wrdreg $0xFFFFFFFF  }
0xae: {  	[dreg:$0x0] =	wrdreg $0x60  }
0xaf: {  	[dreg:$0x2] =	wrdreg s2  }
0xb0: {  	[dreg:$0x3] =	wrdreg s24  }
0xb1: {  	[dreg:$0x4] =	wrdreg s18  }
0xb2: {  	[dreg:$0x5] =	wrdreg $0x9  }
0xb3: {  	_ =	task.clear_ibuf [dreg:s8], $0x6FFFF;
	_ =	strace $0x90000046  }
0xb4: {  	s29 =	simm.s32 $0x9;
	_ =	strace $0x80000048  }
0xb5: {  	_ =	swait.ge [sflag:s29], $0x1  }
0xb6: {  	[sflag:s29] =	ssyncadd.s32 $0xFFFFFFFF  }
0xb7: {  	_ =	strace $0x90000048  }
0xb8: {  	_ =	sfence  }
0xb9: {  	s30 =	sld [smem:$0x0];
	_ =	sdelay $0x2  }
0xba: {  	s31 =	sshll.u32 s1, $0xD;
	s1 =	sshrl.u32 s1, $0x2  }
0xbb: {  	s3 =	sand.u32 $0x4000, s31;
	s1 =	sadd.s32 s1, s30  }
0xbc: {  	s0 =	sor.u32 s3, s0;
	s1 =	sshll.u32 s1, $0x11  }
0xbd: {  	s0 =	sor.u32 s1, s0  }
0xbe: {  	s0 =	sadd.s32 $0x8F2B, s0  }
0xbf: {  	[sflag:s0] =	ssyncadd.remote.s32 $0x1  }
0xc0: {  	_ =	sfence.sel $0xFFFF  }
0xc1: {  	[dreg:$0x0] =	wrdreg $0xFFFFFFFF;
	(pc) =	sbr.abs _section_cstart, $3  }
0xc2: {  	[dreg:$0x1] =	wrdreg $0xFFFFFFFF  }
0xc3: {  	_ =	task.clear_ibuf [dreg:s8], $0x2FFFF;
	_ =	strace $0x9FFFFFFF  }
0xc4: {  	(tm) =	ssettm $0x7FFFFFFF  }
0xc5: {  	_ =	shalt  }
tec
execute0_lowered:
.L_overlay_start_1:
0x0: {  	(tag) =	ssettag $0x1  }
0x1: {  	s13 =	rddreg [dreg:$0x0]  }
0x2: {  	s3 =	rddreg [dreg:$0x1]  }
0x3: {  	s2 =	srdreg.scid;
	s0 =	stileid.u32  }
0x4: {  	s1 =	rddreg [dreg:$0x2];
	s28 =	simm.s32 $0x4;
	s29 =	simm.s32 $0x2  }
0x5: {  	s30 =	simm.s32 $0x5;
	s31 =	simm.s32 $0x3;
	s4 =	sand.u32 $0x1, s2  }
0x6: {  	s23 =	sshll.u32 s0, $0x1;
	s2 =	simm.s32 $0x0;
	s15 =	sadd.s32 $0x800, s13  }
0x7: {  	s18 =	sadd.s32 $0x800, s1;
	s5 =	sor.u32 s4, s23;
	[smem:$0x7FF] =	sst s2  }
0x8: {  	s4 =	ssub.s32 $0x2, s4;
	s6 =	sshll.u32 s5, $0x4;
	s11 =	sshll.u32 s5, $0xF  }
0x9: {  	_ =	strace $0x80000047;
	s16 =	sshll.u32 s5, $0x13;
	s3 =	sadd.s32 s6, s3  }
0xa: {  	s6 =	sand.u32 $0x38000, s11;
	s25 =	sadd.s32 $0x8000, s11;
	s14 =	sadd.s32 $0x10000, s11  }
0xb: {  	s3 =	sadd.s32 $0x400, s3;
	s7 =	sshrl.u32 s6, $0x3;
	s8 =	sor.u32 s16, s6  }
0xc: {  	s17 =	sand.u32 $0x38000, s14;
	s6 =	sxor.u32 $0x20000, s6;
	s14 =	sshrl.u32 s4, $0x1  }
0xd: {  	[dreg:$0x4] =	wrdreg s3;
	s24 =	sadd.s32 s13, s7;
	s3 =	sand.u32 $0x38000, s25  }
0xe: {  	s26 =	sadd.s32 s7, s15;
	s8 =	sshrl.u32 s8, $0x3;
	s20 =	sshrl.u32 s17, $0x3  }
0xf: {  	s5 =	sor.u32 s16, s17;
	[dreg:$0x5] =	wrdreg s24;
	s0 =	sshrl.u32 s3, $0x3  }
0x10: {  	[dreg:$0x6] =	wrdreg s26;
	s10 =	sadd.s32 s1, s8;
	s19 =	sadd.s32 s8, s18  }
0x11: {  	s3 =	sor.u32 s16, s3;
	s21 =	sadd.s32 s13, s20;
	s23 =	sadd.s32 s20, s15  }
0x12: {  	s24 =	sadd.s32 $0x18000, s11;
	s5 =	sshrl.u32 s5, $0x3;
	[dreg:$0x8] =	wrdreg s10  }
0x13: {  	s20 =	sadd.s32 $0x28000, s11;
	s9 =	sadd.s32 s13, s0;
	[dreg:$0xa] =	wrdreg s19  }
0x14: {  	s12 =	sadd.s32 s0, s15;
	s3 =	sshrl.u32 s3, $0x3;
	[dreg:$0xb] =	wrdreg s21  }
0x15: {  	[dreg:$0xd] =	wrdreg s23;
	s25 =	sand.u32 $0x38000, s24;
	s0 =	sadd.s32 s1, s5  }
0x16: {  	s10 =	sshrl.u32 s6, $0x3;
	s19 =	ssub.s32 s4, s14;
	[dreg:$0x7] =	wrdreg s9  }
0x17: {  	s21 =	sand.u32 $0x38000, s20;
	s20 =	sadd.s32 $0x38000, s11;
	[dreg:$0x9] =	wrdreg s12  }
0x18: {  	s22 =	sadd.s32 s1, s3;
	s3 =	sadd.s32 s3, s18;
	s8 =	sshrl.u32 s25, $0x3  }
0x19: {  	[dreg:$0x10] =	wrdreg s0;
	s9 =	sadd.s32 s5, s18;
	s7 =	sor.u32 s16, s25  }
0x1a: {  	s12 =	sadd.s32 s13, s10;
	s23 =	sshrl.u32 s21, $0x3;
	[dreg:$0xc] =	wrdreg s22  }
0x1b: {  	s24 =	sor.u32 s16, s21;
	s20 =	sand.u32 $0x38000, s20;
	[dreg:$0xe] =	wrdreg s3  }
0x1c: {  	s19 =	smax.u32 s19, $0x1;
	s26 =	sadd.s32 s13, s8;
	[dreg:$0x12] =	wrdreg s9  }
0x1d: {  	s8 =	sadd.s32 s8, s15;
	s7 =	sshrl.u32 s7, $0x3;
	[dreg:$0x13] =	wrdreg s12  }
0x1e: {  	s3 =	sadd.s32 s10, s15;
	s22 =	sor.u32 s16, s6;
	[dreg:$0xf] =	wrdreg s26  }
0x1f: {  	s5 =	sadd.s32 s13, s23;
	s10 =	sadd.s32 $0x30000, s11;
	[dreg:$0x11] =	wrdreg s8  }
0x20: {  	s17 =	sadd.s32 s1, s7;
	s4 =	sadd.s32 s7, s18;
	s9 =	sshrl.u32 s22, $0x3  }
0x21: {  	s7 =	sadd.s32 s23, s15;
	s12 =	sand.u32 $0x38000, s10;
	s26 =	sshrl.u32 s20, $0x3  }
0x22: {  	s20 =	sor.u32 s16, s20;
	s22 =	simm.s32 $0x8080;
	s23 =	simm.s32 $0x10080  }
0x23: {  	[dreg:$0x14] =	wrdreg s17;
	s6 =	sadd.s32 s1, s9;
	s8 =	sadd.s32 s9, s18  }
0x24: {  	s14 =	sshrl.u32 s12, $0x3;
	s17 =	sshrl.u32 s24, $0x3;
	s25 =	sor.u32 s16, s12  }
0x25: {  	s20 =	sshrl.u32 s20, $0x3;
	s24 =	simm.s32 $0x1;
	s9 =	sadd.s32 s13, s14  }
0x26: {  	s10 =	sadd.s32 s1, s17;
	s11 =	sadd.s32 s14, s15;
	s12 =	sadd.s32 s17, s18  }
0x27: {  	s21 =	sshrl.u32 s25, $0x3;
	s13 =	sadd.s32 s13, s26;
	s15 =	sadd.s32 s26, s15  }
0x28: {  	s17 =	sadd.s32 s1, s20;
	s25 =	simm.s32 $0x4000;
	s26 =	simm.s32 $0x40000  }
0x29: {  	s14 =	sadd.s32 s1, s21;
	s16 =	sadd.s32 s21, s18;
	s18 =	sadd.s32 s20, s18  }
0x2a: {  	vm0 =	vmmov $0x3;
	v0 =	vlaneseq.u32;
	s20 =	simm.s32 $0x7;
	s21 =	simm.s32 $0x80;
	s1 =	simm.s32 $0x6  }
.LBB2_1:
0x2b: {  	s0 =	rddreg [dreg:$0x4]  }
0x2c: {  	[tilespmem:s2], [sflag:$0x7] =	stream.linear.gather [hbm4b:s0+s2], $0x80, $0x38;
	[tilespmem:$0x18080] =	vst v63  }
0x2d: {  	_ =	swait.ge [sflag:s20], $0x80  }
0x2e: {  	[sflag:s20] =	ssyncset.done $0x0  }
0x2f: {  	[sflag:s20] =	ssyncadd.s32 $0xFFFFFF80  }
0x30: {  	v1 =	vld.msk [tilespmem:$0x0], $0x3;
	_ =	sdelay $0x4  }
0x31: {  	v1 =	vshll.u32 v1, $0x12  }
0x32: {  	v1 =	vperm.xlane v1, v0;
	_ =	sdelay $0x4  }
0x33: {  	s0 =	rddreg [dreg:$0x5]  }
0x34: {  	[tilespmem:s21], [sflag:$0x1] =	stream.indirect_vreg.gather [hbm4b:s0+s2], $0x4000, v1, vm0, $0x38;
	[tilespmem:$0x18080] =	vst v63  }
0x35: {  	v1 =	vld.msk [tilespmem:$0x0], $0x3;
	_ =	sdelay $0x4  }
0x36: {  	v1 =	vshll.u32 v1, $0x12  }
0x37: {  	v1 =	vperm.xlane v1, v0;
	_ =	sdelay $0x4  }
0x38: {  	s0 =	rddreg [dreg:$0x6]  }
0x39: {  	[tilespmem:s22], [sflag:$0x2] =	stream.indirect_vreg.gather [hbm4b:s0+s2], $0x4000, v1, vm0, $0x38;
	[tilespmem:$0x18080] =	vst v63  }
0x3a: {  	v1 =	vld.msk [tilespmem:$0x0], $0x3;
	_ =	sdelay $0x4  }
0x3b: {  	v1 =	vshll.u32 v1, $0x12  }
0x3c: {  	v1 =	vperm.xlane v1, v0;
	_ =	sdelay $0x4  }
0x3d: {  	s0 =	rddreg [dreg:$0x7]  }
0x3e: {  	[tilespmem:s23], [sflag:$0x3] =	stream.indirect_vreg.gather [hbm4b:s0+s2], $0x4000, v1, vm0, $0x38;
	[tilespmem:$0x18080] =	vst v63  }
0x3f: {  	_ =	swait.ge [sflag:s24], $0x8000  }
0x40: {  	[sflag:s24] =	ssyncset.done $0x0  }
0x41: {  	s0 =	rddreg [dreg:$0x8];
	[sflag:s24] =	ssyncadd.s32 $0xFFFF8000  }
0x42: {  	[hbm4b:s0+s25] =	stream.strided.scatter [tilespmem:s21], [sflag:$0x4], $0x8000, s26, s25, $0x38;
	[tilespmem:$0x18080] =	vst v63  }
0x43: {  	_ =	swait.ge [sflag:s28], $0x8000  }
0x44: {  	[sflag:s28] =	ssyncset.done $0x0  }
0x45: {  	[sflag:s28] =	ssyncadd.s32 $0xFFFF8000  }
0x46: {  	v1 =	vld.msk [tilespmem:$0x0], $0x3;
	_ =	sdelay $0x4  }
0x47: {  	v1 =	vshll.u32 v1, $0x12  }
0x48: {  	v1 =	vperm.xlane v1, v0;
	_ =	sdelay $0x4  }
0x49: {  	s0 =	rddreg [dreg:$0x9]  }
0x4a: {  	[tilespmem:s21], [sflag:$0x1] =	stream.indirect_vreg.gather [hbm4b:s0+s2], $0x4000, v1, vm0, $0x38;
	[tilespmem:$0x18080] =	vst v63  }
0x4b: {  	_ =	swait.ge [sflag:s29], $0x8000  }
0x4c: {  	[sflag:s29] =	ssyncset.done $0x0  }
0x4d: {  	s0 =	rddreg [dreg:$0xa];
	[sflag:s29] =	ssyncadd.s32 $0xFFFF8000  }
0x4e: {  	[hbm4b:s0+s25] =	stream.strided.scatter [tilespmem:s22], [sflag:$0x5], $0x8000, s26, s25, $0x38;
	[tilespmem:$0x18080] =	vst v63  }
0x4f: {  	_ =	swait.ge [sflag:s30], $0x8000  }
0x50: {  	[sflag:s30] =	ssyncset.done $0x0  }
0x51: {  	[sflag:s30] =	ssyncadd.s32 $0xFFFF8000  }
0x52: {  	v1 =	vld.msk [tilespmem:$0x0], $0x3;
	_ =	sdelay $0x4  }
0x53: {  	v1 =	vshll.u32 v1, $0x12  }
0x54: {  	v1 =	vperm.xlane v1, v0;
	_ =	sdelay $0x4  }
0x55: {  	s0 =	rddreg [dreg:$0xb]  }
0x56: {  	[tilespmem:s22], [sflag:$0x2] =	stream.indirect_vreg.gather [hbm4b:s0+s2], $0x4000, v1, vm0, $0x38;
	[tilespmem:$0x18080] =	vst v63  }
0x57: {  	_ =	swait.ge [sflag:s31], $0x8000  }
0x58: {  	[sflag:s31] =	ssyncset.done $0x0  }
0x59: {  	s0 =	rddreg [dreg:$0xc];
	[sflag:s31] =	ssyncadd.s32 $0xFFFF8000  }
0x5a: {  	[hbm4b:s0+s25] =	stream.strided.scatter [tilespmem:s23], [sflag:$0x6], $0x8000, s26, s25, $0x38;
	[tilespmem:$0x18080] =	vst v63  }
0x5b: {  	_ =	swait.ge [sflag:s1], $0x8000  }
0x5c: {  	[sflag:s1] =	ssyncset.done $0x0  }
0x5d: {  	[sflag:s1] =	ssyncadd.s32 $0xFFFF8000  }
0x5e: {  	v1 =	vld.msk [tilespmem:$0x0], $0x3;
	_ =	sdelay $0x4  }
0x5f: {  	v1 =	vshll.u32 v1, $0x12  }
0x60: {  	v1 =	vperm.xlane v1, v0;
	_ =	sdelay $0x4  }
0x61: {  	s0 =	rddreg [dreg:$0xd]  }
0x62: {  	[tilespmem:s23], [sflag:$0x3] =	stream.indirect_vreg.gather [hbm4b:s0+s2], $0x4000, v1, vm0, $0x38;
	[tilespmem:$0x18080] =	vst v63  }
0x63: {  	_ =	swait.ge [sflag:s24], $0x8000  }
0x64: {  	[sflag:s24] =	ssyncset.done $0x0  }
0x65: {  	s0 =	rddreg [dreg:$0xe];
	[sflag:s24] =	ssyncadd.s32 $0xFFFF8000  }
0x66: {  	[hbm4b:s0+s25] =	stream.strided.scatter [tilespmem:s21], [sflag:$0x4], $0x8000, s26, s25, $0x38;
	[tilespmem:$0x18080] =	vst v63  }
0x67: {  	_ =	swait.ge [sflag:s28], $0x8000  }
0x68: {  	[sflag:s28] =	ssyncset.done $0x0  }
0x69: {  	[sflag:s28] =	ssyncadd.s32 $0xFFFF8000  }
0x6a: {  	v1 =	vld.msk [tilespmem:$0x0], $0x3;
	_ =	sdelay $0x4  }
0x6b: {  	v1 =	vshll.u32 v1, $0x12  }
0x6c: {  	v1 =	vperm.xlane v1, v0;
	_ =	sdelay $0x4  }
0x6d: {  	s0 =	rddreg [dreg:$0xf]  }
0x6e: {  	[tilespmem:s21], [sflag:$0x1] =	stream.indirect_vreg.gather [hbm4b:s0+s2], $0x4000, v1, vm0, $0x38;
	[tilespmem:$0x18080] =	vst v63  }
0x6f: {  	_ =	swait.ge [sflag:s29], $0x8000  }
0x70: {  	[sflag:s29] =	ssyncset.done $0x0  }
0x71: {  	s0 =	rddreg [dreg:$0x10];
	[sflag:s29] =	ssyncadd.s32 $0xFFFF8000  }
0x72: {  	[hbm4b:s0+s25] =	stream.strided.scatter [tilespmem:s22], [sflag:$0x5], $0x8000, s26, s25, $0x38;
	[tilespmem:$0x18080] =	vst v63  }
0x73: {  	_ =	swait.ge [sflag:s30], $0x8000  }
0x74: {  	[sflag:s30] =	ssyncset.done $0x0  }
0x75: {  	[sflag:s30] =	ssyncadd.s32 $0xFFFF8000  }
0x76: {  	v1 =	vld.msk [tilespmem:$0x0], $0x3;
	_ =	sdelay $0x4  }
0x77: {  	v1 =	vshll.u32 v1, $0x12  }
0x78: {  	v1 =	vperm.xlane v1, v0;
	_ =	sdelay $0x4  }
0x79: {  	s0 =	rddreg [dreg:$0x11]  }
0x7a: {  	[tilespmem:s22], [sflag:$0x2] =	stream.indirect_vreg.gather [hbm4b:s0+s2], $0x4000, v1, vm0, $0x38;
	[tilespmem:$0x18080] =	vst v63  }
0x7b: {  	_ =	swait.ge [sflag:s31], $0x8000  }
0x7c: {  	[sflag:s31] =	ssyncset.done $0x0  }
0x7d: {  	s0 =	rddreg [dreg:$0x12];
	[sflag:s31] =	ssyncadd.s32 $0xFFFF8000  }
0x7e: {  	[hbm4b:s0+s25] =	stream.strided.scatter [tilespmem:s23], [sflag:$0x6], $0x8000, s26, s25, $0x38;
	[tilespmem:$0x18080] =	vst v63  }
0x7f: {  	_ =	swait.ge [sflag:s1], $0x8000  }
0x80: {  	[sflag:s1] =	ssyncset.done $0x0  }
0x81: {  	[sflag:s1] =	ssyncadd.s32 $0xFFFF8000  }
0x82: {  	v1 =	vld.msk [tilespmem:$0x0], $0x3;
	_ =	sdelay $0x4  }
0x83: {  	v1 =	vshll.u32 v1, $0x12  }
0x84: {  	v1 =	vperm.xlane v1, v0;
	_ =	sdelay $0x4  }
0x85: {  	s0 =	rddreg [dreg:$0x13]  }
0x86: {  	[tilespmem:s23], [sflag:$0x3] =	stream.indirect_vreg.gather [hbm4b:s0+s2], $0x4000, v1, vm0, $0x38;
	[tilespmem:$0x18080] =	vst v63  }
0x87: {  	_ =	swait.ge [sflag:s24], $0x8000  }
0x88: {  	[sflag:s24] =	ssyncset.done $0x0  }
0x89: {  	s0 =	rddreg [dreg:$0x14];
	[sflag:s24] =	ssyncadd.s32 $0xFFFF8000  }
0x8a: {  	[hbm4b:s0+s25] =	stream.strided.scatter [tilespmem:s21], [sflag:$0x4], $0x8000, s26, s25, $0x38;
	[tilespmem:$0x18080] =	vst v63  }
0x8b: {  	_ =	swait.ge [sflag:s28], $0x8000  }
0x8c: {  	[sflag:s28] =	ssyncset.done $0x0  }
0x8d: {  	[sflag:s28] =	ssyncadd.s32 $0xFFFF8000  }
0x8e: {  	v1 =	vld.msk [tilespmem:$0x0], $0x3;
	_ =	sdelay $0x4  }
0x8f: {  	v1 =	vshll.u32 v1, $0x12  }
0x90: {  	v1 =	vperm.xlane v1, v0;
	_ =	sdelay $0x5  }
0x91: {  	[tilespmem:s21], [sflag:$0x1] =	stream.indirect_vreg.gather [hbm4b:s3+s2], $0x4000, v1, vm0, $0x38;
	[tilespmem:$0x18080] =	vst v63  }
0x92: {  	_ =	swait.ge [sflag:s29], $0x8000  }
0x93: {  	[sflag:s29] =	ssyncset.done $0x0  }
0x94: {  	[sflag:s29] =	ssyncadd.s32 $0xFFFF8000  }
0x95: {  	[hbm4b:s4+s25] =	stream.strided.scatter [tilespmem:s22], [sflag:$0x5], $0x8000, s26, s25, $0x38;
	[tilespmem:$0x18080] =	vst v63  }
0x96: {  	_ =	swait.ge [sflag:s30], $0x8000  }
0x97: {  	[sflag:s30] =	ssyncset.done $0x0  }
0x98: {  	[sflag:s30] =	ssyncadd.s32 $0xFFFF8000  }
0x99: {  	v1 =	vld.msk [tilespmem:$0x0], $0x3;
	_ =	sdelay $0x4  }
0x9a: {  	v1 =	vshll.u32 v1, $0x12  }
0x9b: {  	v1 =	vperm.xlane v1, v0;
	_ =	sdelay $0x5  }
0x9c: {  	[tilespmem:s22], [sflag:$0x2] =	stream.indirect_vreg.gather [hbm4b:s5+s2], $0x4000, v1, vm0, $0x38;
	[tilespmem:$0x18080] =	vst v63  }
0x9d: {  	_ =	swait.ge [sflag:s31], $0x8000  }
0x9e: {  	[sflag:s31] =	ssyncset.done $0x0  }
0x9f: {  	[sflag:s31] =	ssyncadd.s32 $0xFFFF8000  }
0xa0: {  	[hbm4b:s6+s25] =	stream.strided.scatter [tilespmem:s23], [sflag:$0x6], $0x8000, s26, s25, $0x38;
	[tilespmem:$0x18080] =	vst v63  }
0xa1: {  	_ =	swait.ge [sflag:s1], $0x8000  }
0xa2: {  	[sflag:s1] =	ssyncset.done $0x0  }
0xa3: {  	[sflag:s1] =	ssyncadd.s32 $0xFFFF8000  }
0xa4: {  	v1 =	vld.msk [tilespmem:$0x0], $0x3;
	_ =	sdelay $0x4  }
0xa5: {  	v1 =	vshll.u32 v1, $0x12  }
0xa6: {  	v1 =	vperm.xlane v1, v0;
	_ =	sdelay $0x5  }
0xa7: {  	[tilespmem:s23], [sflag:$0x3] =	stream.indirect_vreg.gather [hbm4b:s7+s2], $0x4000, v1, vm0, $0x38;
	[tilespmem:$0x18080] =	vst v63  }
0xa8: {  	_ =	swait.ge [sflag:s24], $0x8000  }
0xa9: {  	[sflag:s24] =	ssyncset.done $0x0  }
0xaa: {  	[sflag:s24] =	ssyncadd.s32 $0xFFFF8000  }
0xab: {  	[hbm4b:s8+s25] =	stream.strided.scatter [tilespmem:s21], [sflag:$0x4], $0x8000, s26, s25, $0x38;
	[tilespmem:$0x18080] =	vst v63  }
0xac: {  	_ =	swait.ge [sflag:s28], $0x8000  }
0xad: {  	[sflag:s28] =	ssyncset.done $0x0  }
0xae: {  	[sflag:s28] =	ssyncadd.s32 $0xFFFF8000  }
0xaf: {  	v1 =	vld.msk [tilespmem:$0x0], $0x3;
	_ =	sdelay $0x4  }
0xb0: {  	v1 =	vshll.u32 v1, $0x12  }
0xb1: {  	v1 =	vperm.xlane v1, v0;
	_ =	sdelay $0x5  }
0xb2: {  	[tilespmem:s21], [sflag:$0x1] =	stream.indirect_vreg.gather [hbm4b:s9+s2], $0x4000, v1, vm0, $0x38;
	[tilespmem:$0x18080] =	vst v63  }
0xb3: {  	_ =	swait.ge [sflag:s29], $0x8000  }
0xb4: {  	[sflag:s29] =	ssyncset.done $0x0  }
0xb5: {  	[sflag:s29] =	ssyncadd.s32 $0xFFFF8000  }
0xb6: {  	[hbm4b:s10+s25] =	stream.strided.scatter [tilespmem:s22], [sflag:$0x5], $0x8000, s26, s25, $0x38;
	[tilespmem:$0x18080] =	vst v63  }
0xb7: {  	_ =	swait.ge [sflag:s30], $0x8000  }
0xb8: {  	[sflag:s30] =	ssyncset.done $0x0  }
0xb9: {  	[sflag:s30] =	ssyncadd.s32 $0xFFFF8000  }
0xba: {  	v1 =	vld.msk [tilespmem:$0x0], $0x3;
	_ =	sdelay $0x4  }
0xbb: {  	v1 =	vshll.u32 v1, $0x12  }
0xbc: {  	v1 =	vperm.xlane v1, v0;
	_ =	sdelay $0x5  }
0xbd: {  	[tilespmem:s22], [sflag:$0x2] =	stream.indirect_vreg.gather [hbm4b:s11+s2], $0x4000, v1, vm0, $0x38;
	[tilespmem:$0x18080] =	vst v63  }
0xbe: {  	_ =	swait.ge [sflag:s31], $0x8000  }
0xbf: {  	[sflag:s31] =	ssyncset.done $0x0  }
0xc0: {  	[sflag:s31] =	ssyncadd.s32 $0xFFFF8000  }
0xc1: {  	[hbm4b:s12+s25] =	stream.strided.scatter [tilespmem:s23], [sflag:$0x6], $0x8000, s26, s25, $0x38;
	[tilespmem:$0x18080] =	vst v63  }
0xc2: {  	_ =	swait.ge [sflag:s1], $0x8000  }
0xc3: {  	[sflag:s1] =	ssyncset.done $0x0  }
0xc4: {  	[sflag:s1] =	ssyncadd.s32 $0xFFFF8000  }
0xc5: {  	v1 =	vld.msk [tilespmem:$0x0], $0x3;
	_ =	sdelay $0x4  }
0xc6: {  	v1 =	vshll.u32 v1, $0x12  }
0xc7: {  	v1 =	vperm.xlane v1, v0;
	_ =	sdelay $0x5  }
0xc8: {  	[tilespmem:s23], [sflag:$0x3] =	stream.indirect_vreg.gather [hbm4b:s13+s2], $0x4000, v1, vm0, $0x38;
	[tilespmem:$0x18080] =	vst v63  }
0xc9: {  	_ =	swait.ge [sflag:s24], $0x8000  }
0xca: {  	[sflag:s24] =	ssyncset.done $0x0  }
0xcb: {  	[sflag:s24] =	ssyncadd.s32 $0xFFFF8000  }
0xcc: {  	[hbm4b:s14+s25] =	stream.strided.scatter [tilespmem:s21], [sflag:$0x4], $0x8000, s26, s25, $0x38;
	[tilespmem:$0x18080] =	vst v63  }
0xcd: {  	_ =	swait.ge [sflag:s28], $0x8000  }
0xce: {  	[sflag:s28] =	ssyncset.done $0x0  }
0xcf: {  	[sflag:s28] =	ssyncadd.s32 $0xFFFF8000  }
0xd0: {  	v1 =	vld.msk [tilespmem:$0x0], $0x3;
	_ =	sdelay $0x4  }
0xd1: {  	v1 =	vshll.u32 v1, $0x12  }
0xd2: {  	v1 =	vperm.xlane v1, v0;
	_ =	sdelay $0x5  }
0xd3: {  	[tilespmem:s21], [sflag:$0x1] =	stream.indirect_vreg.gather [hbm4b:s15+s2], $0x4000, v1, vm0, $0x38;
	[tilespmem:$0x18080] =	vst v63  }
0xd4: {  	_ =	swait.ge [sflag:s29], $0x8000  }
0xd5: {  	[sflag:s29] =	ssyncset.done $0x0  }
0xd6: {  	[sflag:s29] =	ssyncadd.s32 $0xFFFF8000  }
0xd7: {  	[hbm4b:s16+s25] =	stream.strided.scatter [tilespmem:s22], [sflag:$0x5], $0x8000, s26, s25, $0x38;
	[tilespmem:$0x18080] =	vst v63  }
0xd8: {  	_ =	swait.ge [sflag:s31], $0x8000  }
0xd9: {  	[sflag:s31] =	ssyncset.done $0x0  }
0xda: {  	[sflag:s31] =	ssyncadd.s32 $0xFFFF8000  }
0xdb: {  	[hbm4b:s17+s25] =	stream.strided.scatter [tilespmem:s23], [sflag:$0x6], $0x8000, s26, s25, $0x38;
	[tilespmem:$0x18080] =	vst v63  }
0xdc: {  	_ =	swait.ge [sflag:s24], $0x8000  }
0xdd: {  	[sflag:s24] =	ssyncset.done $0x0  }
0xde: {  	[sflag:s24] =	ssyncadd.s32 $0xFFFF8000  }
0xdf: {  	[hbm4b:s18+s25] =	stream.strided.scatter [tilespmem:s21], [sflag:$0x4], $0x8000, s26, s25, $0x38;
	[tilespmem:$0x18080] =	vst v63  }
0xe0: {  	_ =	swait.ge [sflag:s28], $0x8000  }
0xe1: {  	[sflag:s28] =	ssyncset.done $0x0  }
0xe2: {  	[sflag:s28] =	ssyncadd.s32 $0xFFFF8000  }
0xe3: {  	p0 =	sne.s32 s19, $0x1;
	_ =	swait.ge [sflag:s30], $0x8000  }
.Ltmp0:
0xe4: {  	[sflag:s30] =	ssyncset.done $0x0;
	(pc) =	sbr.rel @p0 .LBB2_1-.Ltmp0, $4  }
0xe5: {  	[sflag:s30] =	ssyncadd.s32 $0xFFFF8000  }
0xe6: {  	_ =	swait.ge [sflag:s1], $0x8000  }
0xe7: {  	[sflag:s1] =	ssyncset.done $0x0  }
0xe8: {  	s19 =	sadd.s32 $0xFFFFFFFF, s19;
	[sflag:s1] =	ssyncadd.s32 $0xFFFF8000  }
0xe9: {  	_ =	sfence.sel $0x180000  }
0xea: {  	[bflag:$0x0] =	sbarrier.arrive $0xFFFF  }
0xeb: {  	_ =	strace $0x90000047  }
0xec: {  	s0 =	stileid.u32;
	[bflag:$0x2] =	sbarrier.arrive $0xFFFF  }
0xed: {  	p0 =	sne.s32 s0, $0x0;
	s0 =	rddreg [dreg:$0x3]  }
0xee: {  	s0 =	sadd.s32 @!p0 $0x100000, s0  }
0xef: {  	[sflag:s0] =	ssyncadd.tile.s32 @!p0 $0x1;
	_ =	shalt  }
.Lfunc_end2:
_tile_overlayer_lowered:
.L_overlay_start_2:
0xf0: {  	(tag) =	ssettag $0x2  }
0xf1: {  	s0 =	rddreg [dreg:$0x0];
	s2 =	stileid.u32  }
0xf2: {  	s1 =	rddreg [dreg:$0x1];
	p0 =	sne.s32 s2, $0x0  }
0xf3: {  	s3 =	rddreg [dreg:$0x2];
	[bflag:$0x3] =	sbarrier.arrive $0xFFFF;
	s2 =	simm.s32 @!p0 $0x1C07  }
0xf4: {  	[timem:s3], [sflag:s2] =	dma.local @!p0 [hbm:s0], s1  }
0xf5: {  	s0 =	simm.s32 @!p0 $0x7  }
0xf6: {  	_ =	swait.ge @!p0 [sflag:s0], s1  }
0xf7: {  	s1 =	ssub.s32 @!p0 $0x0, s1;
	[sflag:s0] =	ssyncset.done @!p0 $0x0  }
0xf8: {  	[sflag:s0] =	ssyncadd.s32 @!p0 s1  }
0xf9: {  	[bflag:$0x3] =	sbarrier.arrive $0xFFFF  }
0xfa: {  	_ =	shalt  }

</sc_bundles>
